<compile_context>
chip_gen: v7x
topology: tpu7x:2x2x1
jax: 0.10.2.dev20260603
libtpu: 0.0.44.dev20260713+nightly
codegen_flags: <defaults>
</compile_context>

<pallas_src>
import jax
import jax.numpy as jnp
from jax.experimental import pallas as pl
from jax.experimental.pallas import tpu as pltpu
from jax.experimental.pallas import tpu_sc as plsc

_CR = 4
_LANES = 16
_N_CORES = 2
_N_SUBCORES = 16


def kernel(x, emb_weight):
    batch, num_patches, dim = x.shape
    n_workers = _N_CORES * _N_SUBCORES
    rows_per_worker = num_patches // n_workers
    n_chunks = rows_per_worker // _CR

    mesh = plsc.VectorSubcoreMesh(core_axis_name="c", subcore_axis_name="s")

    @pl.kernel(
        out_type=jax.ShapeDtypeStruct(x.shape, x.dtype),
        mesh=mesh,
        scratch_types=[
            pltpu.VMEM((2, batch, _CR, dim), x.dtype),
            pltpu.VMEM((2, _CR, dim), x.dtype),
            pltpu.VMEM((2, batch, _CR, dim), x.dtype),
            pltpu.SemaphoreType.DMA((2,)),
            pltpu.SemaphoreType.DMA((2,)),
            pltpu.SemaphoreType.DMA((2,)),
        ],
    )
    def sc_kernel(x_hbm, emb_hbm, o_hbm, xb, eb, ob, sx, se, so):
        c = jax.lax.axis_index("c")
        s = jax.lax.axis_index("s")
        base = (c * _N_SUBCORES + s) * rows_per_worker

        def start_in(k, slot):
            rows = pl.ds(base + k * _CR, _CR)
            pltpu.make_async_copy(
                x_hbm.at[:, rows, :], xb.at[slot], sx.at[slot]
            ).start()
            pltpu.make_async_copy(
                emb_hbm.at[rows, :], eb.at[slot], se.at[slot]
            ).start()

        def wait_in(slot):
            rows = pl.ds(base, _CR)
            pltpu.make_async_copy(
                x_hbm.at[:, rows, :], xb.at[slot], sx.at[slot]
            ).wait()
            pltpu.make_async_copy(
                emb_hbm.at[rows, :], eb.at[slot], se.at[slot]
            ).wait()

        def start_out(k, slot):
            rows = pl.ds(base + k * _CR, _CR)
            pltpu.make_async_copy(
                ob.at[slot], o_hbm.at[:, rows, :], so.at[slot]
            ).start()

        def wait_out(slot):
            rows = pl.ds(base, _CR)
            pltpu.make_async_copy(
                ob.at[slot], o_hbm.at[:, rows, :], so.at[slot]
            ).wait()

        def compute(slot):
            @pl.loop(0, _CR)
            def _(r):
                @pl.loop(0, dim, step=_LANES * 4)
                def _(cc):
                    for u in range(4):
                        cs = pl.ds(cc + u * _LANES, _LANES)
                        e = eb.at[slot, r, cs][...]
                        for b in range(batch):
                            ob.at[slot, b, r, cs][...] = (
                                xb.at[slot, b, r, cs][...] + e
                            )

        start_in(0, 0)
        start_in(1, 1)

        @pl.loop(0, n_chunks, step=2)
        def _(k):
            wait_in(0)

            @pl.when(k > 0)
            def _():
                wait_out(0)

            compute(0)
            start_out(k, 0)

            @pl.when(k + 2 < n_chunks)
            def _():
                start_in(k + 2, 0)

            wait_in(1)

            @pl.when(k > 0)
            def _():
                wait_out(1)

            compute(1)
            start_out(k + 1, 1)

            @pl.when(k + 3 < n_chunks)
            def _():
                start_in(k + 3, 1)

        wait_out(0)
        wait_out(1)

    return sc_kernel(x, emb_weight)

# --- scband reference (transcript-rebuilt; emitter-appended) ---
"""Pipeline reference for scband-positional-encoding-80590766342175 (READ-ONLY COPY).

The authoritative reference and input builder live on the scoring server;
editing this copy changes nothing except your own understanding.
"""

import jax, jax.numpy as jnp
import numpy as np

NUM_PATCHES = 4096
EMBEDDING_DIM = 1024
BATCH = 4


def setup_inputs(seed: int = 0) -> dict:
    key = jax.random.key(seed)
    k_x, k_w = jax.random.split(key)
    x = jax.random.normal(k_x, (BATCH, NUM_PATCHES, EMBEDDING_DIM), dtype=jnp.float32)
    # learned positional embedding table (nn.Embedding weight)
    emb_weight = jax.random.normal(k_w, (NUM_PATCHES, EMBEDDING_DIM), dtype=jnp.float32)
    return {"x": x, "emb_weight": emb_weight}


def reference(x, emb_weight):
    # positions = arange(num_patches); embedding lookup = gather rows
    positions = jnp.arange(emb_weight.shape[0])
    position_embedding = jnp.take(emb_weight, positions, axis=0)  # [num_patches, embedding_dim]
    # broadcast add over batch: x + position_embedding
    return x + position_embedding[None, :, :]

if __name__ == "__main__":
    import jax
    _d = setup_inputs()
    print(jax.jit(kernel)(*tuple(_d.values())))

</pallas_src>

<mosaic_0001>
#map = affine_map<(d0, d1) -> (0, 0, 0)>
#map1 = affine_map<(d0, d1) -> (0, 0)>
module attributes {stable_mosaic.version = 14 : i64} {
  func.func @sc_kernel(%arg0: i32, %arg1: i32, %arg2: memref<4x4096x1024xf32, #tpu.memory_space<hbm>>, %arg3: memref<4096x1024xf32, #tpu.memory_space<hbm>>, %arg4: memref<4x4096x1024xf32, #tpu.memory_space<hbm>>, %arg5: memref<2x4x4x1024xf32, #tpu.memory_space<vmem>>, %arg6: memref<2x4x1024xf32, #tpu.memory_space<vmem>>, %arg7: memref<2x4x4x1024xf32, #tpu.memory_space<vmem>>, %arg8: memref<2x!tpu.dma_semaphore, #tpu.memory_space<semaphore_mem>>, %arg9: memref<2x!tpu.dma_semaphore, #tpu.memory_space<semaphore_mem>>, %arg10: memref<2x!tpu.dma_semaphore, #tpu.memory_space<semaphore_mem>>) attributes {dimension_semantics = [#tpu.dimension_semantics<core_parallel>, #tpu.dimension_semantics<subcore_parallel>], iteration_bounds = array<i64: 2, 16>, scalar_prefetch = 0 : i64, scratch_operands = 6 : i64, tpu.core_type = #tpu.core_type<sc_vector_subcore>, window_params = [{transform_indices = #map}, {transform_indices = #map1}, {transform_indices = #map}]} {
    %mul3A = arith.constant 16 : i32
    %mul3A_0 = arith.muli %arg0, %mul3A : i32
    %add3A = arith.addi %mul3A_0, %arg1 : i32
    %mul3A_1 = arith.constant 128 : i32
    %mul3A_2 = arith.muli %add3A, %mul3A_1 : i32
    %add3A_3 = arith.constant 0 : i32
    %add3A_4 = arith.addi %mul3A_2, %add3A_3 : i32
    %dma_start3A = arith.constant 0 : i32
    %dma_start3A_5 = arith.constant 0 : i32
    %dma_start3A_6 = arith.constant 0 : i32
    %dma_start3A_7 = arith.constant 0 : i32
    %dma_start3A_8 = arith.constant 0 : i32
    %dma_start3A_9 = tpu.memref_slice %arg5[%dma_start3A, %dma_start3A_6, %dma_start3A_7, %dma_start3A_8] : memref<2x4x4x1024xf32, #tpu.memory_space<vmem>> -> memref<1x4x4x1024xf32, #tpu.memory_space<vmem>>
    %dma_start3A_10 = tpu.memref_squeeze %dma_start3A_9 : memref<1x4x4x1024xf32, #tpu.memory_space<vmem>> -> memref<4x4x1024xf32, #tpu.memory_space<vmem>>
    %dma_start3A_11 = arith.constant 0 : i32
    %dma_start3A_12 = arith.constant 0 : i32
    %dma_start3A_13 = tpu.memref_slice %arg2[%dma_start3A_11, %add3A_4, %dma_start3A_12] : memref<4x4096x1024xf32, #tpu.memory_space<hbm>> -> memref<4x4x1024xf32, #tpu.memory_space<hbm>>
    %dma_start3A_14 = tpu.memref_slice %arg8[%dma_start3A_5] : memref<2x!tpu.dma_semaphore, #tpu.memory_space<semaphore_mem>> -> memref<1x!tpu.dma_semaphore, #tpu.memory_space<semaphore_mem>>
    %dma_start3A_15 = tpu.memref_squeeze %dma_start3A_14 : memref<1x!tpu.dma_semaphore, #tpu.memory_space<semaphore_mem>> -> memref<!tpu.dma_semaphore, #tpu.memory_space<semaphore_mem>>
    %dma_start3A_16 = arith.constant 0 : i32
    %dma_start3A_17 = arith.constant 0 : i32
    %dma_start3A_18 = arith.constant 0 : i32
    %dma_start3A_19 = tpu.memref_slice %arg5[%dma_start3A, %dma_start3A_16, %dma_start3A_17, %dma_start3A_18] : memref<2x4x4x1024xf32, #tpu.memory_space<vmem>> -> memref<1x4x4x1024xf32, #tpu.memory_space<vmem>>
    %dma_start3A_20 = tpu.memref_squeeze %dma_start3A_19 : memref<1x4x4x1024xf32, #tpu.memory_space<vmem>> -> memref<4x4x1024xf32, #tpu.memory_space<vmem>>
    %dma_start3A_21 = arith.constant 0 : i32
    %dma_start3A_22 = arith.constant 0 : i32
    %dma_start3A_23 = tpu.memref_slice %arg2[%dma_start3A_21, %add3A_4, %dma_start3A_22] : memref<4x4096x1024xf32, #tpu.memory_space<hbm>> -> memref<4x4x1024xf32, #tpu.memory_space<hbm>>
    tpu.enqueue_dma source(%dma_start3A_23 : memref<4x4x1024xf32, #tpu.memory_space<hbm>>) target(%dma_start3A_20 : memref<4x4x1024xf32, #tpu.memory_space<vmem>>) target_semaphore(%dma_start3A_15 : memref<!tpu.dma_semaphore, #tpu.memory_space<semaphore_mem>>)
    %dma_start3A_24 = arith.constant 0 : i32
    %dma_start3A_25 = arith.constant 0 : i32
    %dma_start3A_26 = arith.constant 0 : i32
    %dma_start3A_27 = arith.constant 0 : i32
    %dma_start3A_28 = tpu.memref_slice %arg6[%dma_start3A_24, %dma_start3A_26, %dma_start3A_27] : memref<2x4x1024xf32, #tpu.memory_space<vmem>> -> memref<1x4x1024xf32, #tpu.memory_space<vmem>>
    %dma_start3A_29 = tpu.memref_squeeze %dma_start3A_28 : memref<1x4x1024xf32, #tpu.memory_space<vmem>> -> memref<4x1024xf32, #tpu.memory_space<vmem>>
    %dma_start3A_30 = arith.constant 0 : i32
    %dma_start3A_31 = tpu.memref_slice %arg3[%add3A_4, %dma_start3A_30] : memref<4096x1024xf32, #tpu.memory_space<hbm>> -> memref<4x1024xf32, #tpu.memory_space<hbm>>
    %dma_start3A_32 = tpu.memref_slice %arg9[%dma_start3A_25] : memref<2x!tpu.dma_semaphore, #tpu.memory_space<semaphore_mem>> -> memref<1x!tpu.dma_semaphore, #tpu.memory_space<semaphore_mem>>
    %dma_start3A_33 = tpu.memref_squeeze %dma_start3A_32 : memref<1x!tpu.dma_semaphore, #tpu.memory_space<semaphore_mem>> -> memref<!tpu.dma_semaphore, #tpu.memory_space<semaphore_mem>>
    %dma_start3A_34 = arith.constant 0 : i32
    %dma_start3A_35 = arith.constant 0 : i32
    %dma_start3A_36 = tpu.memref_slice %arg6[%dma_start3A_24, %dma_start3A_34, %dma_start3A_35] : memref<2x4x1024xf32, #tpu.memory_space<vmem>> -> memref<1x4x1024xf32, #tpu.memory_space<vmem>>
    %dma_start3A_37 = tpu.memref_squeeze %dma_start3A_36 : memref<1x4x1024xf32, #tpu.memory_space<vmem>> -> memref<4x1024xf32, #tpu.memory_space<vmem>>
    %dma_start3A_38 = arith.constant 0 : i32
    %dma_start3A_39 = tpu.memref_slice %arg3[%add3A_4, %dma_start3A_38] : memref<4096x1024xf32, #tpu.memory_space<hbm>> -> memref<4x1024xf32, #tpu.memory_space<hbm>>
    tpu.enqueue_dma source(%dma_start3A_39 : memref<4x1024xf32, #tpu.memory_space<hbm>>) target(%dma_start3A_37 : memref<4x1024xf32, #tpu.memory_space<vmem>>) target_semaphore(%dma_start3A_33 : memref<!tpu.dma_semaphore, #tpu.memory_space<semaphore_mem>>)
    %add3A_40 = arith.constant 4 : i32
    %add3A_41 = arith.addi %mul3A_2, %add3A_40 : i32
    %dma_start3A_42 = arith.constant 1 : i32
    %dma_start3A_43 = arith.constant 1 : i32
    %dma_start3A_44 = arith.constant 0 : i32
    %dma_start3A_45 = arith.constant 0 : i32
    %dma_start3A_46 = arith.constant 0 : i32
    %dma_start3A_47 = tpu.memref_slice %arg5[%dma_start3A_42, %dma_start3A_44, %dma_start3A_45, %dma_start3A_46] : memref<2x4x4x1024xf32, #tpu.memory_space<vmem>> -> memref<1x4x4x1024xf32, #tpu.memory_space<vmem>>
    %dma_start3A_48 = tpu.memref_squeeze %dma_start3A_47 : memref<1x4x4x1024xf32, #tpu.memory_space<vmem>> -> memref<4x4x1024xf32, #tpu.memory_space<vmem>>
    %dma_start3A_49 = arith.constant 0 : i32
    %dma_start3A_50 = arith.constant 0 : i32
    %dma_start3A_51 = tpu.memref_slice %arg2[%dma_start3A_49, %add3A_41, %dma_start3A_50] : memref<4x4096x1024xf32, #tpu.memory_space<hbm>> -> memref<4x4x1024xf32, #tpu.memory_space<hbm>>
    %dma_start3A_52 = tpu.memref_slice %arg8[%dma_start3A_43] : memref<2x!tpu.dma_semaphore, #tpu.memory_space<semaphore_mem>> -> memref<1x!tpu.dma_semaphore, #tpu.memory_space<semaphore_mem>>
    %dma_start3A_53 = tpu.memref_squeeze %dma_start3A_52 : memref<1x!tpu.dma_semaphore, #tpu.memory_space<semaphore_mem>> -> memref<!tpu.dma_semaphore, #tpu.memory_space<semaphore_mem>>
    %dma_start3A_54 = arith.constant 0 : i32
    %dma_start3A_55 = arith.constant 0 : i32
    %dma_start3A_56 = arith.constant 0 : i32
    %dma_start3A_57 = tpu.memref_slice %arg5[%dma_start3A_42, %dma_start3A_54, %dma_start3A_55, %dma_start3A_56] : memref<2x4x4x1024xf32, #tpu.memory_space<vmem>> -> memref<1x4x4x1024xf32, #tpu.memory_space<vmem>>
    %dma_start3A_58 = tpu.memref_squeeze %dma_start3A_57 : memref<1x4x4x1024xf32, #tpu.memory_space<vmem>> -> memref<4x4x1024xf32, #tpu.memory_space<vmem>>
    %dma_start3A_59 = arith.constant 0 : i32
    %dma_start3A_60 = arith.constant 0 : i32
    %dma_start3A_61 = tpu.memref_slice %arg2[%dma_start3A_59, %add3A_41, %dma_start3A_60] : memref<4x4096x1024xf32, #tpu.memory_space<hbm>> -> memref<4x4x1024xf32, #tpu.memory_space<hbm>>
    tpu.enqueue_dma source(%dma_start3A_61 : memref<4x4x1024xf32, #tpu.memory_space<hbm>>) target(%dma_start3A_58 : memref<4x4x1024xf32, #tpu.memory_space<vmem>>) target_semaphore(%dma_start3A_53 : memref<!tpu.dma_semaphore, #tpu.memory_space<semaphore_mem>>)
    %dma_start3A_62 = arith.constant 1 : i32
    %dma_start3A_63 = arith.constant 1 : i32
    %dma_start3A_64 = arith.constant 0 : i32
    %dma_start3A_65 = arith.constant 0 : i32
    %dma_start3A_66 = tpu.memref_slice %arg6[%dma_start3A_62, %dma_start3A_64, %dma_start3A_65] : memref<2x4x1024xf32, #tpu.memory_space<vmem>> -> memref<1x4x1024xf32, #tpu.memory_space<vmem>>
    %dma_start3A_67 = tpu.memref_squeeze %dma_start3A_66 : memref<1x4x1024xf32, #tpu.memory_space<vmem>> -> memref<4x1024xf32, #tpu.memory_space<vmem>>
    %dma_start3A_68 = arith.constant 0 : i32
    %dma_start3A_69 = tpu.memref_slice %arg3[%add3A_41, %dma_start3A_68] : memref<4096x1024xf32, #tpu.memory_space<hbm>> -> memref<4x1024xf32, #tpu.memory_space<hbm>>
    %dma_start3A_70 = tpu.memref_slice %arg9[%dma_start3A_63] : memref<2x!tpu.dma_semaphore, #tpu.memory_space<semaphore_mem>> -> memref<1x!tpu.dma_semaphore, #tpu.memory_space<semaphore_mem>>
    %dma_start3A_71 = tpu.memref_squeeze %dma_start3A_70 : memref<1x!tpu.dma_semaphore, #tpu.memory_space<semaphore_mem>> -> memref<!tpu.dma_semaphore, #tpu.memory_space<semaphore_mem>>
    %dma_start3A_72 = arith.constant 0 : i32
    %dma_start3A_73 = arith.constant 0 : i32
    %dma_start3A_74 = tpu.memref_slice %arg6[%dma_start3A_62, %dma_start3A_72, %dma_start3A_73] : memref<2x4x1024xf32, #tpu.memory_space<vmem>> -> memref<1x4x1024xf32, #tpu.memory_space<vmem>>
    %dma_start3A_75 = tpu.memref_squeeze %dma_start3A_74 : memref<1x4x1024xf32, #tpu.memory_space<vmem>> -> memref<4x1024xf32, #tpu.memory_space<vmem>>
    %dma_start3A_76 = arith.constant 0 : i32
    %dma_start3A_77 = tpu.memref_slice %arg3[%add3A_41, %dma_start3A_76] : memref<4096x1024xf32, #tpu.memory_space<hbm>> -> memref<4x1024xf32, #tpu.memory_space<hbm>>
    tpu.enqueue_dma source(%dma_start3A_77 : memref<4x1024xf32, #tpu.memory_space<hbm>>) target(%dma_start3A_75 : memref<4x1024xf32, #tpu.memory_space<vmem>>) target_semaphore(%dma_start3A_71 : memref<!tpu.dma_semaphore, #tpu.memory_space<semaphore_mem>>)
    %scan3A = arith.constant 0 : i32
    %scan3A_78 = arith.constant 16 : i32
    %scan3A_79 = arith.addi %scan3A, %scan3A_78 : i32
    %scan3A_80 = arith.constant 1 : i32
    scf.for %scan3A_121 = %scan3A to %scan3A_79 step %scan3A_80  : i32 {
      %mul3A_122 = arith.constant 2 : i32
      %mul3A_123 = arith.muli %scan3A_121, %mul3A_122 : i32
      %add3A_124 = arith.constant 0 : i32
      %add3A_125 = arith.addi %add3A_124, %mul3A_123 : i32
      %dma_wait3A_126 = arith.constant 0 : i32
      %dma_wait3A_127 = arith.constant 0 : i32
      %dma_wait3A_128 = arith.constant 0 : i32
      %dma_wait3A_129 = arith.constant 0 : i32
      %dma_wait3A_130 = arith.constant 0 : i32
      %dma_wait3A_131 = tpu.memref_slice %arg5[%dma_wait3A_126, %dma_wait3A_128, %dma_wait3A_129, %dma_wait3A_130] : memref<2x4x4x1024xf32, #tpu.memory_space<vmem>> -> memref<1x4x4x1024xf32, #tpu.memory_space<vmem>>
      %dma_wait3A_132 = tpu.memref_squeeze %dma_wait3A_131 : memref<1x4x4x1024xf32, #tpu.memory_space<vmem>> -> memref<4x4x1024xf32, #tpu.memory_space<vmem>>
      %dma_wait3A_133 = arith.constant 0 : i32
      %dma_wait3A_134 = arith.constant 0 : i32
      %dma_wait3A_135 = tpu.memref_slice %arg2[%dma_wait3A_133, %mul3A_2, %dma_wait3A_134] : memref<4x4096x1024xf32, #tpu.memory_space<hbm>> -> memref<4x4x1024xf32, #tpu.memory_space<hbm>>
      %dma_wait3A_136 = tpu.memref_slice %arg8[%dma_wait3A_127] : memref<2x!tpu.dma_semaphore, #tpu.memory_space<semaphore_mem>> -> memref<1x!tpu.dma_semaphore, #tpu.memory_space<semaphore_mem>>
      %dma_wait3A_137 = tpu.memref_squeeze %dma_wait3A_136 : memref<1x!tpu.dma_semaphore, #tpu.memory_space<semaphore_mem>> -> memref<!tpu.dma_semaphore, #tpu.memory_space<semaphore_mem>>
      %dma_wait3A_138 = arith.constant 0 : i32
      %dma_wait3A_139 = arith.constant 0 : i32
      %dma_wait3A_140 = arith.constant 0 : i32
      %dma_wait3A_141 = tpu.memref_slice %arg5[%dma_wait3A_126, %dma_wait3A_138, %dma_wait3A_139, %dma_wait3A_140] : memref<2x4x4x1024xf32, #tpu.memory_space<vmem>> -> memref<1x4x4x1024xf32, #tpu.memory_space<vmem>>
      %dma_wait3A_142 = tpu.memref_squeeze %dma_wait3A_141 : memref<1x4x4x1024xf32, #tpu.memory_space<vmem>> -> memref<4x4x1024xf32, #tpu.memory_space<vmem>>
      %dma_wait3A_143 = arith.constant 0 : i32
      %dma_wait3A_144 = arith.constant 0 : i32
      %dma_wait3A_145 = tpu.memref_slice %arg2[%dma_wait3A_143, %mul3A_2, %dma_wait3A_144] : memref<4x4096x1024xf32, #tpu.memory_space<hbm>> -> memref<4x4x1024xf32, #tpu.memory_space<hbm>>
      tpu.wait_dma2 semaphore(%dma_wait3A_137 : memref<!tpu.dma_semaphore, #tpu.memory_space<semaphore_mem>>) src(%dma_wait3A_145 : memref<4x4x1024xf32, #tpu.memory_space<hbm>>) dst(%dma_wait3A_142 : memref<4x4x1024xf32, #tpu.memory_space<vmem>>)
      %dma_wait3A_146 = arith.constant 0 : i32
      %dma_wait3A_147 = arith.constant 0 : i32
      %dma_wait3A_148 = arith.constant 0 : i32
      %dma_wait3A_149 = arith.constant 0 : i32
      %dma_wait3A_150 = tpu.memref_slice %arg6[%dma_wait3A_146, %dma_wait3A_148, %dma_wait3A_149] : memref<2x4x1024xf32, #tpu.memory_space<vmem>> -> memref<1x4x1024xf32, #tpu.memory_space<vmem>>
      %dma_wait3A_151 = tpu.memref_squeeze %dma_wait3A_150 : memref<1x4x1024xf32, #tpu.memory_space<vmem>> -> memref<4x1024xf32, #tpu.memory_space<vmem>>
      %dma_wait3A_152 = arith.constant 0 : i32
      %dma_wait3A_153 = tpu.memref_slice %arg3[%mul3A_2, %dma_wait3A_152] : memref<4096x1024xf32, #tpu.memory_space<hbm>> -> memref<4x1024xf32, #tpu.memory_space<hbm>>
      %dma_wait3A_154 = tpu.memref_slice %arg9[%dma_wait3A_147] : memref<2x!tpu.dma_semaphore, #tpu.memory_space<semaphore_mem>> -> memref<1x!tpu.dma_semaphore, #tpu.memory_space<semaphore_mem>>
      %dma_wait3A_155 = tpu.memref_squeeze %dma_wait3A_154 : memref<1x!tpu.dma_semaphore, #tpu.memory_space<semaphore_mem>> -> memref<!tpu.dma_semaphore, #tpu.memory_space<semaphore_mem>>
      %dma_wait3A_156 = arith.constant 0 : i32
      %dma_wait3A_157 = arith.constant 0 : i32
      %dma_wait3A_158 = tpu.memref_slice %arg6[%dma_wait3A_146, %dma_wait3A_156, %dma_wait3A_157] : memref<2x4x1024xf32, #tpu.memory_space<vmem>> -> memref<1x4x1024xf32, #tpu.memory_space<vmem>>
      %dma_wait3A_159 = tpu.memref_squeeze %dma_wait3A_158 : memref<1x4x1024xf32, #tpu.memory_space<vmem>> -> memref<4x1024xf32, #tpu.memory_space<vmem>>
      %dma_wait3A_160 = arith.constant 0 : i32
      %dma_wait3A_161 = tpu.memref_slice %arg3[%mul3A_2, %dma_wait3A_160] : memref<4096x1024xf32, #tpu.memory_space<hbm>> -> memref<4x1024xf32, #tpu.memory_space<hbm>>
      tpu.wait_dma2 semaphore(%dma_wait3A_155 : memref<!tpu.dma_semaphore, #tpu.memory_space<semaphore_mem>>) src(%dma_wait3A_161 : memref<4x1024xf32, #tpu.memory_space<hbm>>) dst(%dma_wait3A_159 : memref<4x1024xf32, #tpu.memory_space<vmem>>)
      %gt3A = arith.constant 0 : i32
      %gt3A_162 = arith.cmpi sgt, %add3A_125, %gt3A : i32
      %convert_element_type3A = arith.extui %gt3A_162 : i1 to i32
      %cond3A = arith.constant 0 : i32
      %cond3A_163 = arith.cmpi ne, %convert_element_type3A, %cond3A : i32
      scf.if %cond3A_163 {
        %dma_wait3A_276 = arith.constant 0 : i32
        %dma_wait3A_277 = arith.constant 0 : i32
        %dma_wait3A_278 = arith.constant 0 : i32
        %dma_wait3A_279 = arith.constant 0 : i32
        %dma_wait3A_280 = arith.constant 0 : i32
        %dma_wait3A_281 = tpu.memref_slice %arg7[%dma_wait3A_276, %dma_wait3A_278, %dma_wait3A_279, %dma_wait3A_280] : memref<2x4x4x1024xf32, #tpu.memory_space<vmem>> -> memref<1x4x4x1024xf32, #tpu.memory_space<vmem>>
        %dma_wait3A_282 = tpu.memref_squeeze %dma_wait3A_281 : memref<1x4x4x1024xf32, #tpu.memory_space<vmem>> -> memref<4x4x1024xf32, #tpu.memory_space<vmem>>
        %dma_wait3A_283 = arith.constant 0 : i32
        %dma_wait3A_284 = arith.constant 0 : i32
        %dma_wait3A_285 = tpu.memref_slice %arg4[%dma_wait3A_283, %mul3A_2, %dma_wait3A_284] : memref<4x4096x1024xf32, #tpu.memory_space<hbm>> -> memref<4x4x1024xf32, #tpu.memory_space<hbm>>
        %dma_wait3A_286 = tpu.memref_slice %arg10[%dma_wait3A_277] : memref<2x!tpu.dma_semaphore, #tpu.memory_space<semaphore_mem>> -> memref<1x!tpu.dma_semaphore, #tpu.memory_space<semaphore_mem>>
        %dma_wait3A_287 = tpu.memref_squeeze %dma_wait3A_286 : memref<1x!tpu.dma_semaphore, #tpu.memory_space<semaphore_mem>> -> memref<!tpu.dma_semaphore, #tpu.memory_space<semaphore_mem>>
        %dma_wait3A_288 = arith.constant 0 : i32
        %dma_wait3A_289 = arith.constant 0 : i32
        %dma_wait3A_290 = tpu.memref_slice %arg4[%dma_wait3A_288, %mul3A_2, %dma_wait3A_289] : memref<4x4096x1024xf32, #tpu.memory_space<hbm>> -> memref<4x4x1024xf32, #tpu.memory_space<hbm>>
        %dma_wait3A_291 = arith.constant 0 : i32
        %dma_wait3A_292 = arith.constant 0 : i32
        %dma_wait3A_293 = arith.constant 0 : i32
        %dma_wait3A_294 = tpu.memref_slice %arg7[%dma_wait3A_276, %dma_wait3A_291, %dma_wait3A_292, %dma_wait3A_293] : memref<2x4x4x1024xf32, #tpu.memory_space<vmem>> -> memref<1x4x4x1024xf32, #tpu.memory_space<vmem>>
        %dma_wait3A_295 = tpu.memref_squeeze %dma_wait3A_294 : memref<1x4x4x1024xf32, #tpu.memory_space<vmem>> -> memref<4x4x1024xf32, #tpu.memory_space<vmem>>
        tpu.wait_dma2 semaphore(%dma_wait3A_287 : memref<!tpu.dma_semaphore, #tpu.memory_space<semaphore_mem>>) src(%dma_wait3A_295 : memref<4x4x1024xf32, #tpu.memory_space<vmem>>) dst(%dma_wait3A_290 : memref<4x4x1024xf32, #tpu.memory_space<hbm>>)
      } else {
      }
      %scan3A_164 = arith.constant 0 : i32
      %scan3A_165 = arith.constant 4 : i32
      %scan3A_166 = arith.addi %scan3A_164, %scan3A_165 : i32
      %scan3A_167 = arith.constant 1 : i32
      scf.for %scan3A_276 = %scan3A_164 to %scan3A_166 step %scan3A_167  : i32 {
        %mul3A_277 = arith.constant 1 : i32
        %mul3A_278 = arith.muli %scan3A_276, %mul3A_277 : i32
        %add3A_279 = arith.constant 0 : i32
        %add3A_280 = arith.addi %add3A_279, %mul3A_278 : i32
        %scan3A_281 = arith.constant 0 : i32
        %scan3A_282 = arith.constant 16 : i32
        %scan3A_283 = arith.addi %scan3A_281, %scan3A_282 : i32
        %scan3A_284 = arith.constant 1 : i32
        scf.for %scan3A_286 = %scan3A_281 to %scan3A_283 step %scan3A_284  : i32 {
          %mul3A_287 = arith.constant 64 : i32
          %mul3A_288 = arith.muli %scan3A_286, %mul3A_287 : i32
          %add3A_289 = arith.constant 0 : i32
          %add3A_290 = arith.addi %add3A_289, %mul3A_288 : i32
          %add3A_291 = arith.constant 0 : i32
          %add3A_292 = arith.addi %add3A_290, %add3A_291 : i32
          %get3A = arith.constant 0 : i32
          %get3A_293 = arith.index_cast %get3A : i32 to index
          %get3A_294 = arith.index_cast %add3A_280 : i32 to index
          %get3A_295 = arith.index_cast %add3A_292 : i32 to index
          %get3A_296 = tpu.vector_load %arg6[%get3A_293, %get3A_294, %get3A_295] {strides = array<i32>} : memref<2x4x1024xf32, #tpu.memory_space<vmem>>, vector<1x1x16xf32>,
          %get3A_297 = vector.shape_cast %get3A_296 : vector<1x1x16xf32> to vector<16xf32>
          %get3A_298 = arith.constant 0 : i32
          %get3A_299 = arith.constant 0 : i32
          %get3A_300 = arith.index_cast %get3A_298 : i32 to index
          %get3A_301 = arith.index_cast %get3A_299 : i32 to index
          %get3A_302 = arith.index_cast %add3A_280 : i32 to index
          %get3A_303 = arith.index_cast %add3A_292 : i32 to index
          %get3A_304 = tpu.vector_load %arg5[%get3A_300, %get3A_301, %get3A_302, %get3A_303] {strides = array<i32>} : memref<2x4x4x1024xf32, #tpu.memory_space<vmem>>, vector<1x1x1x16xf32>,
          %get3A_305 = vector.shape_cast %get3A_304 : vector<1x1x1x16xf32> to vector<16xf32>
          %add3A_306 = arith.addf %get3A_305, %get3A_297 : vector<16xf32>
          %swap3A = arith.constant 0 : i32
          %swap3A_307 = arith.constant 0 : i32
          %swap3A_308 = arith.index_cast %swap3A : i32 to index
          %swap3A_309 = arith.index_cast %swap3A_307 : i32 to index
          %swap3A_310 = arith.index_cast %add3A_280 : i32 to index
          %swap3A_311 = arith.index_cast %add3A_292 : i32 to index
          %swap3A_312 = tpu.vector_load %arg7[%swap3A_308, %swap3A_309, %swap3A_310, %swap3A_311] {strides = array<i32>} : memref<2x4x4x1024xf32, #tpu.memory_space<vmem>>, vector<1x1x1x16xf32>,
          %swap3A_313 = vector.shape_cast %swap3A_312 : vector<1x1x1x16xf32> to vector<16xf32>
          %swap3A_314 = vector.shape_cast %add3A_306 : vector<16xf32> to vector<1x1x1x16xf32>
          tpu.vector_store %arg7[%swap3A_308, %swap3A_309, %swap3A_310, %swap3A_311], %swap3A_314 {strides = array<i32>} : memref<2x4x4x1024xf32, #tpu.memory_space<vmem>>, vector<1x1x1x16xf32>,
          %get3A_315 = arith.constant 0 : i32
          %get3A_316 = arith.constant 1 : i32
          %get3A_317 = arith.index_cast %get3A_315 : i32 to index
          %get3A_318 = arith.index_cast %get3A_316 : i32 to index
          %get3A_319 = arith.index_cast %add3A_280 : i32 to index
          %get3A_320 = arith.index_cast %add3A_292 : i32 to index
          %get3A_321 = tpu.vector_load %arg5[%get3A_317, %get3A_318, %get3A_319, %get3A_320] {strides = array<i32>} : memref<2x4x4x1024xf32, #tpu.memory_space<vmem>>, vector<1x1x1x16xf32>,
          %get3A_322 = vector.shape_cast %get3A_321 : vector<1x1x1x16xf32> to vector<16xf32>
          %add3A_323 = arith.addf %get3A_322, %get3A_297 : vector<16xf32>
          %swap3A_324 = arith.constant 0 : i32
          %swap3A_325 = arith.constant 1 : i32
          %swap3A_326 = arith.index_cast %swap3A_324 : i32 to index
          %swap3A_327 = arith.index_cast %swap3A_325 : i32 to index
          %swap3A_328 = arith.index_cast %add3A_280 : i32 to index
          %swap3A_329 = arith.index_cast %add3A_292 : i32 to index
          %swap3A_330 = tpu.vector_load %arg7[%swap3A_326, %swap3A_327, %swap3A_328, %swap3A_329] {strides = array<i32>} : memref<2x4x4x1024xf32, #tpu.memory_space<vmem>>, vector<1x1x1x16xf32>,
          %swap3A_331 = vector.shape_cast %swap3A_330 : vector<1x1x1x16xf32> to vector<16xf32>
          %swap3A_332 = vector.shape_cast %add3A_323 : vector<16xf32> to vector<1x1x1x16xf32>
          tpu.vector_store %arg7[%swap3A_326, %swap3A_327, %swap3A_328, %swap3A_329], %swap3A_332 {strides = array<i32>} : memref<2x4x4x1024xf32, #tpu.memory_space<vmem>>, vector<1x1x1x16xf32>,
          %get3A_333 = arith.constant 0 : i32
          %get3A_334 = arith.constant 2 : i32
          %get3A_335 = arith.index_cast %get3A_333 : i32 to index
          %get3A_336 = arith.index_cast %get3A_334 : i32 to index
          %get3A_337 = arith.index_cast %add3A_280 : i32 to index
          %get3A_338 = arith.index_cast %add3A_292 : i32 to index
          %get3A_339 = tpu.vector_load %arg5[%get3A_335, %get3A_336, %get3A_337, %get3A_338] {strides = array<i32>} : memref<2x4x4x1024xf32, #tpu.memory_space<vmem>>, vector<1x1x1x16xf32>,
          %get3A_340 = vector.shape_cast %get3A_339 : vector<1x1x1x16xf32> to vector<16xf32>
          %add3A_341 = arith.addf %get3A_340, %get3A_297 : vector<16xf32>
          %swap3A_342 = arith.constant 0 : i32
          %swap3A_343 = arith.constant 2 : i32
          %swap3A_344 = arith.index_cast %swap3A_342 : i32 to index
          %swap3A_345 = arith.index_cast %swap3A_343 : i32 to index
          %swap3A_346 = arith.index_cast %add3A_280 : i32 to index
          %swap3A_347 = arith.index_cast %add3A_292 : i32 to index
          %swap3A_348 = tpu.vector_load %arg7[%swap3A_344, %swap3A_345, %swap3A_346, %swap3A_347] {strides = array<i32>} : memref<2x4x4x1024xf32, #tpu.memory_space<vmem>>, vector<1x1x1x16xf32>,
          %swap3A_349 = vector.shape_cast %swap3A_348 : vector<1x1x1x16xf32> to vector<16xf32>
          %swap3A_350 = vector.shape_cast %add3A_341 : vector<16xf32> to vector<1x1x1x16xf32>
          tpu.vector_store %arg7[%swap3A_344, %swap3A_345, %swap3A_346, %swap3A_347], %swap3A_350 {strides = array<i32>} : memref<2x4x4x1024xf32, #tpu.memory_space<vmem>>, vector<1x1x1x16xf32>,
          %get3A_351 = arith.constant 0 : i32
          %get3A_352 = arith.constant 3 : i32
          %get3A_353 = arith.index_cast %get3A_351 : i32 to index
          %get3A_354 = arith.index_cast %get3A_352 : i32 to index
          %get3A_355 = arith.index_cast %add3A_280 : i32 to index
          %get3A_356 = arith.index_cast %add3A_292 : i32 to index
          %get3A_357 = tpu.vector_load %arg5[%get3A_353, %get3A_354, %get3A_355, %get3A_356] {strides = array<i32>} : memref<2x4x4x1024xf32, #tpu.memory_space<vmem>>, vector<1x1x1x16xf32>,
          %get3A_358 = vector.shape_cast %get3A_357 : vector<1x1x1x16xf32> to vector<16xf32>
          %add3A_359 = arith.addf %get3A_358, %get3A_297 : vector<16xf32>
          %swap3A_360 = arith.constant 0 : i32
          %swap3A_361 = arith.constant 3 : i32
          %swap3A_362 = arith.index_cast %swap3A_360 : i32 to index
          %swap3A_363 = arith.index_cast %swap3A_361 : i32 to index
          %swap3A_364 = arith.index_cast %add3A_280 : i32 to index
          %swap3A_365 = arith.index_cast %add3A_292 : i32 to index
          %swap3A_366 = tpu.vector_load %arg7[%swap3A_362, %swap3A_363, %swap3A_364, %swap3A_365] {strides = array<i32>} : memref<2x4x4x1024xf32, #tpu.memory_space<vmem>>, vector<1x1x1x16xf32>,
          %swap3A_367 = vector.shape_cast %swap3A_366 : vector<1x1x1x16xf32> to vector<16xf32>
          %swap3A_368 = vector.shape_cast %add3A_359 : vector<16xf32> to vector<1x1x1x16xf32>
          tpu.vector_store %arg7[%swap3A_362, %swap3A_363, %swap3A_364, %swap3A_365], %swap3A_368 {strides = array<i32>} : memref<2x4x4x1024xf32, #tpu.memory_space<vmem>>, vector<1x1x1x16xf32>,
          %add3A_369 = arith.constant 16 : i32
          %add3A_370 = arith.addi %add3A_290, %add3A_369 : i32
          %get3A_371 = arith.constant 0 : i32
          %get3A_372 = arith.index_cast %get3A_371 : i32 to index
          %get3A_373 = arith.index_cast %add3A_280 : i32 to index
          %get3A_374 = arith.index_cast %add3A_370 : i32 to index
          %get3A_375 = tpu.vector_load %arg6[%get3A_372, %get3A_373, %get3A_374] {strides = array<i32>} : memref<2x4x1024xf32, #tpu.memory_space<vmem>>, vector<1x1x16xf32>,
          %get3A_376 = vector.shape_cast %get3A_375 : vector<1x1x16xf32> to vector<16xf32>
          %get3A_377 = arith.constant 0 : i32
          %get3A_378 = arith.constant 0 : i32
          %get3A_379 = arith.index_cast %get3A_377 : i32 to index
          %get3A_380 = arith.index_cast %get3A_378 : i32 to index
          %get3A_381 = arith.index_cast %add3A_280 : i32 to index
          %get3A_382 = arith.index_cast %add3A_370 : i32 to index
          %get3A_383 = tpu.vector_load %arg5[%get3A_379, %get3A_380, %get3A_381, %get3A_382] {strides = array<i32>} : memref<2x4x4x1024xf32, #tpu.memory_space<vmem>>, vector<1x1x1x16xf32>,
          %get3A_384 = vector.shape_cast %get3A_383 : vector<1x1x1x16xf32> to vector<16xf32>
          %add3A_385 = arith.addf %get3A_384, %get3A_376 : vector<16xf32>
          %swap3A_386 = arith.constant 0 : i32
          %swap3A_387 = arith.constant 0 : i32
          %swap3A_388 = arith.index_cast %swap3A_386 : i32 to index
          %swap3A_389 = arith.index_cast %swap3A_387 : i32 to index
          %swap3A_390 = arith.index_cast %add3A_280 : i32 to index
          %swap3A_391 = arith.index_cast %add3A_370 : i32 to index
          %swap3A_392 = tpu.vector_load %arg7[%swap3A_388, %swap3A_389, %swap3A_390, %swap3A_391] {strides = array<i32>} : memref<2x4x4x1024xf32, #tpu.memory_space<vmem>>, vector<1x1x1x16xf32>,
          %swap3A_393 = vector.shape_cast %swap3A_392 : vector<1x1x1x16xf32> to vector<16xf32>
          %swap3A_394 = vector.shape_cast %add3A_385 : vector<16xf32> to vector<1x1x1x16xf32>
          tpu.vector_store %arg7[%swap3A_388, %swap3A_389, %swap3A_390, %swap3A_391], %swap3A_394 {strides = array<i32>} : memref<2x4x4x1024xf32, #tpu.memory_space<vmem>>, vector<1x1x1x16xf32>,
          %get3A_395 = arith.constant 0 : i32
          %get3A_396 = arith.constant 1 : i32
          %get3A_397 = arith.index_cast %get3A_395 : i32 to index
          %get3A_398 = arith.index_cast %get3A_396 : i32 to index
          %get3A_399 = arith.index_cast %add3A_280 : i32 to index
          %get3A_400 = arith.index_cast %add3A_370 : i32 to index
          %get3A_401 = tpu.vector_load %arg5[%get3A_397, %get3A_398, %get3A_399, %get3A_400] {strides = array<i32>} : memref<2x4x4x1024xf32, #tpu.memory_space<vmem>>, vector<1x1x1x16xf32>,
          %get3A_402 = vector.shape_cast %get3A_401 : vector<1x1x1x16xf32> to vector<16xf32>
          %add3A_403 = arith.addf %get3A_402, %get3A_376 : vector<16xf32>
          %swap3A_404 = arith.constant 0 : i32
          %swap3A_405 = arith.constant 1 : i32
          %swap3A_406 = arith.index_cast %swap3A_404 : i32 to index
          %swap3A_407 = arith.index_cast %swap3A_405 : i32 to index
          %swap3A_408 = arith.index_cast %add3A_280 : i32 to index
          %swap3A_409 = arith.index_cast %add3A_370 : i32 to index
          %swap3A_410 = tpu.vector_load %arg7[%swap3A_406, %swap3A_407, %swap3A_408, %swap3A_409] {strides = array<i32>} : memref<2x4x4x1024xf32, #tpu.memory_space<vmem>>, vector<1x1x1x16xf32>,
          %swap3A_411 = vector.shape_cast %swap3A_410 : vector<1x1x1x16xf32> to vector<16xf32>
          %swap3A_412 = vector.shape_cast %add3A_403 : vector<16xf32> to vector<1x1x1x16xf32>
          tpu.vector_store %arg7[%swap3A_406, %swap3A_407, %swap3A_408, %swap3A_409], %swap3A_412 {strides = array<i32>} : memref<2x4x4x1024xf32, #tpu.memory_space<vmem>>, vector<1x1x1x16xf32>,
          %get3A_413 = arith.constant 0 : i32
          %get3A_414 = arith.constant 2 : i32
          %get3A_415 = arith.index_cast %get3A_413 : i32 to index
          %get3A_416 = arith.index_cast %get3A_414 : i32 to index
          %get3A_417 = arith.index_cast %add3A_280 : i32 to index
          %get3A_418 = arith.index_cast %add3A_370 : i32 to index
          %get3A_419 = tpu.vector_load %arg5[%get3A_415, %get3A_416, %get3A_417, %get3A_418] {strides = array<i32>} : memref<2x4x4x1024xf32, #tpu.memory_space<vmem>>, vector<1x1x1x16xf32>,
          %get3A_420 = vector.shape_cast %get3A_419 : vector<1x1x1x16xf32> to vector<16xf32>
          %add3A_421 = arith.addf %get3A_420, %get3A_376 : vector<16xf32>
          %swap3A_422 = arith.constant 0 : i32
          %swap3A_423 = arith.constant 2 : i32
          %swap3A_424 = arith.index_cast %swap3A_422 : i32 to index
          %swap3A_425 = arith.index_cast %swap3A_423 : i32 to index
          %swap3A_426 = arith.index_cast %add3A_280 : i32 to index
          %swap3A_427 = arith.index_cast %add3A_370 : i32 to index
          %swap3A_428 = tpu.vector_load %arg7[%swap3A_424, %swap3A_425, %swap3A_426, %swap3A_427] {strides = array<i32>} : memref<2x4x4x1024xf32, #tpu.memory_space<vmem>>, vector<1x1x1x16xf32>,
          %swap3A_429 = vector.shape_cast %swap3A_428 : vector<1x1x1x16xf32> to vector<16xf32>
          %swap3A_430 = vector.shape_cast %add3A_421 : vector<16xf32> to vector<1x1x1x16xf32>
          tpu.vector_store %arg7[%swap3A_424, %swap3A_425, %swap3A_426, %swap3A_427], %swap3A_430 {strides = array<i32>} : memref<2x4x4x1024xf32, #tpu.memory_space<vmem>>, vector<1x1x1x16xf32>,
          %get3A_431 = arith.constant 0 : i32
          %get3A_432 = arith.constant 3 : i32
          %get3A_433 = arith.index_cast %get3A_431 : i32 to index
          %get3A_434 = arith.index_cast %get3A_432 : i32 to index
          %get3A_435 = arith.index_cast %add3A_280 : i32 to index
          %get3A_436 = arith.index_cast %add3A_370 : i32 to index
          %get3A_437 = tpu.vector_load %arg5[%get3A_433, %get3A_434, %get3A_435, %get3A_436] {strides = array<i32>} : memref<2x4x4x1024xf32, #tpu.memory_space<vmem>>, vector<1x1x1x16xf32>,
          %get3A_438 = vector.shape_cast %get3A_437 : vector<1x1x1x16xf32> to vector<16xf32>
          %add3A_439 = arith.addf %get3A_438, %get3A_376 : vector<16xf32>
          %swap3A_440 = arith.constant 0 : i32
          %swap3A_441 = arith.constant 3 : i32
          %swap3A_442 = arith.index_cast %swap3A_440 : i32 to index
          %swap3A_443 = arith.index_cast %swap3A_441 : i32 to index
          %swap3A_444 = arith.index_cast %add3A_280 : i32 to index
          %swap3A_445 = arith.index_cast %add3A_370 : i32 to index
          %swap3A_446 = tpu.vector_load %arg7[%swap3A_442, %swap3A_443, %swap3A_444, %swap3A_445] {strides = array<i32>} : memref<2x4x4x1024xf32, #tpu.memory_space<vmem>>, vector<1x1x1x16xf32>,
          %swap3A_447 = vector.shape_cast %swap3A_446 : vector<1x1x1x16xf32> to vector<16xf32>
          %swap3A_448 = vector.shape_cast %add3A_439 : vector<16xf32> to vector<1x1x1x16xf32>
          tpu.vector_store %arg7[%swap3A_442, %swap3A_443, %swap3A_444, %swap3A_445], %swap3A_448 {strides = array<i32>} : memref<2x4x4x1024xf32, #tpu.memory_space<vmem>>, vector<1x1x1x16xf32>,
          %add3A_449 = arith.constant 32 : i32
          %add3A_450 = arith.addi %add3A_290, %add3A_449 : i32
          %get3A_451 = arith.constant 0 : i32
          %get3A_452 = arith.index_cast %get3A_451 : i32 to index
          %get3A_453 = arith.index_cast %add3A_280 : i32 to index
          %get3A_454 = arith.index_cast %add3A_450 : i32 to index
          %get3A_455 = tpu.vector_load %arg6[%get3A_452, %get3A_453, %get3A_454] {strides = array<i32>} : memref<2x4x1024xf32, #tpu.memory_space<vmem>>, vector<1x1x16xf32>,
          %get3A_456 = vector.shape_cast %get3A_455 : vector<1x1x16xf32> to vector<16xf32>
          %get3A_457 = arith.constant 0 : i32
          %get3A_458 = arith.constant 0 : i32
          %get3A_459 = arith.index_cast %get3A_457 : i32 to index
          %get3A_460 = arith.index_cast %get3A_458 : i32 to index
          %get3A_461 = arith.index_cast %add3A_280 : i32 to index
          %get3A_462 = arith.index_cast %add3A_450 : i32 to index
          %get3A_463 = tpu.vector_load %arg5[%get3A_459, %get3A_460, %get3A_461, %get3A_462] {strides = array<i32>} : memref<2x4x4x1024xf32, #tpu.memory_space<vmem>>, vector<1x1x1x16xf32>,
          %get3A_464 = vector.shape_cast %get3A_463 : vector<1x1x1x16xf32> to vector<16xf32>
          %add3A_465 = arith.addf %get3A_464, %get3A_456 : vector<16xf32>
          %swap3A_466 = arith.constant 0 : i32
          %swap3A_467 = arith.constant 0 : i32
          %swap3A_468 = arith.index_cast %swap3A_466 : i32 to index
          %swap3A_469 = arith.index_cast %swap3A_467 : i32 to index
          %swap3A_470 = arith.index_cast %add3A_280 : i32 to index
          %swap3A_471 = arith.index_cast %add3A_450 : i32 to index
          %swap3A_472 = tpu.vector_load %arg7[%swap3A_468, %swap3A_469, %swap3A_470, %swap3A_471] {strides = array<i32>} : memref<2x4x4x1024xf32, #tpu.memory_space<vmem>>, vector<1x1x1x16xf32>,
          %swap3A_473 = vector.shape_cast %swap3A_472 : vector<1x1x1x16xf32> to vector<16xf32>
          %swap3A_474 = vector.shape_cast %add3A_465 : vector<16xf32> to vector<1x1x1x16xf32>
          tpu.vector_store %arg7[%swap3A_468, %swap3A_469, %swap3A_470, %swap3A_471], %swap3A_474 {strides = array<i32>} : memref<2x4x4x1024xf32, #tpu.memory_space<vmem>>, vector<1x1x1x16xf32>,
          %get3A_475 = arith.constant 0 : i32
          %get3A_476 = arith.constant 1 : i32
          %get3A_477 = arith.index_cast %get3A_475 : i32 to index
          %get3A_478 = arith.index_cast %get3A_476 : i32 to index
          %get3A_479 = arith.index_cast %add3A_280 : i32 to index
          %get3A_480 = arith.index_cast %add3A_450 : i32 to index
          %get3A_481 = tpu.vector_load %arg5[%get3A_477, %get3A_478, %get3A_479, %get3A_480] {strides = array<i32>} : memref<2x4x4x1024xf32, #tpu.memory_space<vmem>>, vector<1x1x1x16xf32>,
          %get3A_482 = vector.shape_cast %get3A_481 : vector<1x1x1x16xf32> to vector<16xf32>
          %add3A_483 = arith.addf %get3A_482, %get3A_456 : vector<16xf32>
          %swap3A_484 = arith.constant 0 : i32
          %swap3A_485 = arith.constant 1 : i32
          %swap3A_486 = arith.index_cast %swap3A_484 : i32 to index
          %swap3A_487 = arith.index_cast %swap3A_485 : i32 to index
          %swap3A_488 = arith.index_cast %add3A_280 : i32 to index
          %swap3A_489 = arith.index_cast %add3A_450 : i32 to index
          %swap3A_490 = tpu.vector_load %arg7[%swap3A_486, %swap3A_487, %swap3A_488, %swap3A_489] {strides = array<i32>} : memref<2x4x4x1024xf32, #tpu.memory_space<vmem>>, vector<1x1x1x16xf32>,
          %swap3A_491 = vector.shape_cast %swap3A_490 : vector<1x1x1x16xf32> to vector<16xf32>
          %swap3A_492 = vector.shape_cast %add3A_483 : vector<16xf32> to vector<1x1x1x16xf32>
          tpu.vector_store %arg7[%swap3A_486, %swap3A_487, %swap3A_488, %swap3A_489], %swap3A_492 {strides = array<i32>} : memref<2x4x4x1024xf32, #tpu.memory_space<vmem>>, vector<1x1x1x16xf32>,
          %get3A_493 = arith.constant 0 : i32
          %get3A_494 = arith.constant 2 : i32
          %get3A_495 = arith.index_cast %get3A_493 : i32 to index
          %get3A_496 = arith.index_cast %get3A_494 : i32 to index
          %get3A_497 = arith.index_cast %add3A_280 : i32 to index
          %get3A_498 = arith.index_cast %add3A_450 : i32 to index
          %get3A_499 = tpu.vector_load %arg5[%get3A_495, %get3A_496, %get3A_497, %get3A_498] {strides = array<i32>} : memref<2x4x4x1024xf32, #tpu.memory_space<vmem>>, vector<1x1x1x16xf32>,
          %get3A_500 = vector.shape_cast %get3A_499 : vector<1x1x1x16xf32> to vector<16xf32>
          %add3A_501 = arith.addf %get3A_500, %get3A_456 : vector<16xf32>
          %swap3A_502 = arith.constant 0 : i32
          %swap3A_503 = arith.constant 2 : i32
          %swap3A_504 = arith.index_cast %swap3A_502 : i32 to index
          %swap3A_505 = arith.index_cast %swap3A_503 : i32 to index
          %swap3A_506 = arith.index_cast %add3A_280 : i32 to index
          %swap3A_507 = arith.index_cast %add3A_450 : i32 to index
          %swap3A_508 = tpu.vector_load %arg7[%swap3A_504, %swap3A_505, %swap3A_506, %swap3A_507] {strides = array<i32>} : memref<2x4x4x1024xf32, #tpu.memory_space<vmem>>, vector<1x1x1x16xf32>,
          %swap3A_509 = vector.shape_cast %swap3A_508 : vector<1x1x1x16xf32> to vector<16xf32>
          %swap3A_510 = vector.shape_cast %add3A_501 : vector<16xf32> to vector<1x1x1x16xf32>
          tpu.vector_store %arg7[%swap3A_504, %swap3A_505, %swap3A_506, %swap3A_507], %swap3A_510 {strides = array<i32>} : memref<2x4x4x1024xf32, #tpu.memory_space<vmem>>, vector<1x1x1x16xf32>,
          %get3A_511 = arith.constant 0 : i32
          %get3A_512 = arith.constant 3 : i32
          %get3A_513 = arith.index_cast %get3A_511 : i32 to index
          %get3A_514 = arith.index_cast %get3A_512 : i32 to index
          %get3A_515 = arith.index_cast %add3A_280 : i32 to index
          %get3A_516 = arith.index_cast %add3A_450 : i32 to index
          %get3A_517 = tpu.vector_load %arg5[%get3A_513, %get3A_514, %get3A_515, %get3A_516] {strides = array<i32>} : memref<2x4x4x1024xf32, #tpu.memory_space<vmem>>, vector<1x1x1x16xf32>,
          %get3A_518 = vector.shape_cast %get3A_517 : vector<1x1x1x16xf32> to vector<16xf32>
          %add3A_519 = arith.addf %get3A_518, %get3A_456 : vector<16xf32>
          %swap3A_520 = arith.constant 0 : i32
          %swap3A_521 = arith.constant 3 : i32
          %swap3A_522 = arith.index_cast %swap3A_520 : i32 to index
          %swap3A_523 = arith.index_cast %swap3A_521 : i32 to index
          %swap3A_524 = arith.index_cast %add3A_280 : i32 to index
          %swap3A_525 = arith.index_cast %add3A_450 : i32 to index
          %swap3A_526 = tpu.vector_load %arg7[%swap3A_522, %swap3A_523, %swap3A_524, %swap3A_525] {strides = array<i32>} : memref<2x4x4x1024xf32, #tpu.memory_space<vmem>>, vector<1x1x1x16xf32>,
          %swap3A_527 = vector.shape_cast %swap3A_526 : vector<1x1x1x16xf32> to vector<16xf32>
          %swap3A_528 = vector.shape_cast %add3A_519 : vector<16xf32> to vector<1x1x1x16xf32>
          tpu.vector_store %arg7[%swap3A_522, %swap3A_523, %swap3A_524, %swap3A_525], %swap3A_528 {strides = array<i32>} : memref<2x4x4x1024xf32, #tpu.memory_space<vmem>>, vector<1x1x1x16xf32>,
          %add3A_529 = arith.constant 48 : i32
          %add3A_530 = arith.addi %add3A_290, %add3A_529 : i32
          %get3A_531 = arith.constant 0 : i32
          %get3A_532 = arith.index_cast %get3A_531 : i32 to index
          %get3A_533 = arith.index_cast %add3A_280 : i32 to index
          %get3A_534 = arith.index_cast %add3A_530 : i32 to index
          %get3A_535 = tpu.vector_load %arg6[%get3A_532, %get3A_533, %get3A_534] {strides = array<i32>} : memref<2x4x1024xf32, #tpu.memory_space<vmem>>, vector<1x1x16xf32>,
          %get3A_536 = vector.shape_cast %get3A_535 : vector<1x1x16xf32> to vector<16xf32>
          %get3A_537 = arith.constant 0 : i32
          %get3A_538 = arith.constant 0 : i32
          %get3A_539 = arith.index_cast %get3A_537 : i32 to index
          %get3A_540 = arith.index_cast %get3A_538 : i32 to index
          %get3A_541 = arith.index_cast %add3A_280 : i32 to index
          %get3A_542 = arith.index_cast %add3A_530 : i32 to index
          %get3A_543 = tpu.vector_load %arg5[%get3A_539, %get3A_540, %get3A_541, %get3A_542] {strides = array<i32>} : memref<2x4x4x1024xf32, #tpu.memory_space<vmem>>, vector<1x1x1x16xf32>,
          %get3A_544 = vector.shape_cast %get3A_543 : vector<1x1x1x16xf32> to vector<16xf32>
          %add3A_545 = arith.addf %get3A_544, %get3A_536 : vector<16xf32>
          %swap3A_546 = arith.constant 0 : i32
          %swap3A_547 = arith.constant 0 : i32
          %swap3A_548 = arith.index_cast %swap3A_546 : i32 to index
          %swap3A_549 = arith.index_cast %swap3A_547 : i32 to index
          %swap3A_550 = arith.index_cast %add3A_280 : i32 to index
          %swap3A_551 = arith.index_cast %add3A_530 : i32 to index
          %swap3A_552 = tpu.vector_load %arg7[%swap3A_548, %swap3A_549, %swap3A_550, %swap3A_551] {strides = array<i32>} : memref<2x4x4x1024xf32, #tpu.memory_space<vmem>>, vector<1x1x1x16xf32>,
          %swap3A_553 = vector.shape_cast %swap3A_552 : vector<1x1x1x16xf32> to vector<16xf32>
          %swap3A_554 = vector.shape_cast %add3A_545 : vector<16xf32> to vector<1x1x1x16xf32>
          tpu.vector_store %arg7[%swap3A_548, %swap3A_549, %swap3A_550, %swap3A_551], %swap3A_554 {strides = array<i32>} : memref<2x4x4x1024xf32, #tpu.memory_space<vmem>>, vector<1x1x1x16xf32>,
          %get3A_555 = arith.constant 0 : i32
          %get3A_556 = arith.constant 1 : i32
          %get3A_557 = arith.index_cast %get3A_555 : i32 to index
          %get3A_558 = arith.index_cast %get3A_556 : i32 to index
          %get3A_559 = arith.index_cast %add3A_280 : i32 to index
          %get3A_560 = arith.index_cast %add3A_530 : i32 to index
          %get3A_561 = tpu.vector_load %arg5[%get3A_557, %get3A_558, %get3A_559, %get3A_560] {strides = array<i32>} : memref<2x4x4x1024xf32, #tpu.memory_space<vmem>>, vector<1x1x1x16xf32>,
          %get3A_562 = vector.shape_cast %get3A_561 : vector<1x1x1x16xf32> to vector<16xf32>
          %add3A_563 = arith.addf %get3A_562, %get3A_536 : vector<16xf32>
          %swap3A_564 = arith.constant 0 : i32
          %swap3A_565 = arith.constant 1 : i32
          %swap3A_566 = arith.index_cast %swap3A_564 : i32 to index
          %swap3A_567 = arith.index_cast %swap3A_565 : i32 to index
          %swap3A_568 = arith.index_cast %add3A_280 : i32 to index
          %swap3A_569 = arith.index_cast %add3A_530 : i32 to index
          %swap3A_570 = tpu.vector_load %arg7[%swap3A_566, %swap3A_567, %swap3A_568, %swap3A_569] {strides = array<i32>} : memref<2x4x4x1024xf32, #tpu.memory_space<vmem>>, vector<1x1x1x16xf32>,
          %swap3A_571 = vector.shape_cast %swap3A_570 : vector<1x1x1x16xf32> to vector<16xf32>
          %swap3A_572 = vector.shape_cast %add3A_563 : vector<16xf32> to vector<1x1x1x16xf32>
          tpu.vector_store %arg7[%swap3A_566, %swap3A_567, %swap3A_568, %swap3A_569], %swap3A_572 {strides = array<i32>} : memref<2x4x4x1024xf32, #tpu.memory_space<vmem>>, vector<1x1x1x16xf32>,
          %get3A_573 = arith.constant 0 : i32
          %get3A_574 = arith.constant 2 : i32
          %get3A_575 = arith.index_cast %get3A_573 : i32 to index
          %get3A_576 = arith.index_cast %get3A_574 : i32 to index
          %get3A_577 = arith.index_cast %add3A_280 : i32 to index
          %get3A_578 = arith.index_cast %add3A_530 : i32 to index
          %get3A_579 = tpu.vector_load %arg5[%get3A_575, %get3A_576, %get3A_577, %get3A_578] {strides = array<i32>} : memref<2x4x4x1024xf32, #tpu.memory_space<vmem>>, vector<1x1x1x16xf32>,
          %get3A_580 = vector.shape_cast %get3A_579 : vector<1x1x1x16xf32> to vector<16xf32>
          %add3A_581 = arith.addf %get3A_580, %get3A_536 : vector<16xf32>
          %swap3A_582 = arith.constant 0 : i32
          %swap3A_583 = arith.constant 2 : i32
          %swap3A_584 = arith.index_cast %swap3A_582 : i32 to index
          %swap3A_585 = arith.index_cast %swap3A_583 : i32 to index
          %swap3A_586 = arith.index_cast %add3A_280 : i32 to index
          %swap3A_587 = arith.index_cast %add3A_530 : i32 to index
          %swap3A_588 = tpu.vector_load %arg7[%swap3A_584, %swap3A_585, %swap3A_586, %swap3A_587] {strides = array<i32>} : memref<2x4x4x1024xf32, #tpu.memory_space<vmem>>, vector<1x1x1x16xf32>,
          %swap3A_589 = vector.shape_cast %swap3A_588 : vector<1x1x1x16xf32> to vector<16xf32>
          %swap3A_590 = vector.shape_cast %add3A_581 : vector<16xf32> to vector<1x1x1x16xf32>
          tpu.vector_store %arg7[%swap3A_584, %swap3A_585, %swap3A_586, %swap3A_587], %swap3A_590 {strides = array<i32>} : memref<2x4x4x1024xf32, #tpu.memory_space<vmem>>, vector<1x1x1x16xf32>,
          %get3A_591 = arith.constant 0 : i32
          %get3A_592 = arith.constant 3 : i32
          %get3A_593 = arith.index_cast %get3A_591 : i32 to index
          %get3A_594 = arith.index_cast %get3A_592 : i32 to index
          %get3A_595 = arith.index_cast %add3A_280 : i32 to index
          %get3A_596 = arith.index_cast %add3A_530 : i32 to index
          %get3A_597 = tpu.vector_load %arg5[%get3A_593, %get3A_594, %get3A_595, %get3A_596] {strides = array<i32>} : memref<2x4x4x1024xf32, #tpu.memory_space<vmem>>, vector<1x1x1x16xf32>,
          %get3A_598 = vector.shape_cast %get3A_597 : vector<1x1x1x16xf32> to vector<16xf32>
          %add3A_599 = arith.addf %get3A_598, %get3A_536 : vector<16xf32>
          %swap3A_600 = arith.constant 0 : i32
          %swap3A_601 = arith.constant 3 : i32
          %swap3A_602 = arith.index_cast %swap3A_600 : i32 to index
          %swap3A_603 = arith.index_cast %swap3A_601 : i32 to index
          %swap3A_604 = arith.index_cast %add3A_280 : i32 to index
          %swap3A_605 = arith.index_cast %add3A_530 : i32 to index
          %swap3A_606 = tpu.vector_load %arg7[%swap3A_602, %swap3A_603, %swap3A_604, %swap3A_605] {strides = array<i32>} : memref<2x4x4x1024xf32, #tpu.memory_space<vmem>>, vector<1x1x1x16xf32>,
          %swap3A_607 = vector.shape_cast %swap3A_606 : vector<1x1x1x16xf32> to vector<16xf32>
          %swap3A_608 = vector.shape_cast %add3A_599 : vector<16xf32> to vector<1x1x1x16xf32>
          tpu.vector_store %arg7[%swap3A_602, %swap3A_603, %swap3A_604, %swap3A_605], %swap3A_608 {strides = array<i32>} : memref<2x4x4x1024xf32, #tpu.memory_space<vmem>>, vector<1x1x1x16xf32>,
        }
        %scan3A_285 = arith.constant 16 : i32
      }
      %scan3A_168 = arith.constant 4 : i32
      %mul3A_169 = arith.constant 4 : i32
      %mul3A_170 = arith.muli %add3A_125, %mul3A_169 : i32
      %add3A_171 = arith.addi %mul3A_2, %mul3A_170 : i32
      %dma_start3A_172 = arith.constant 0 : i32
      %dma_start3A_173 = arith.constant 0 : i32
      %dma_start3A_174 = arith.constant 0 : i32
      %dma_start3A_175 = arith.constant 0 : i32
      %dma_start3A_176 = arith.constant 0 : i32
      %dma_start3A_177 = tpu.memref_slice %arg7[%dma_start3A_172, %dma_start3A_174, %dma_start3A_175, %dma_start3A_176] : memref<2x4x4x1024xf32, #tpu.memory_space<vmem>> -> memref<1x4x4x1024xf32, #tpu.memory_space<vmem>>
      %dma_start3A_178 = tpu.memref_squeeze %dma_start3A_177 : memref<1x4x4x1024xf32, #tpu.memory_space<vmem>> -> memref<4x4x1024xf32, #tpu.memory_space<vmem>>
      %dma_start3A_179 = arith.constant 0 : i32
      %dma_start3A_180 = arith.constant 0 : i32
      %dma_start3A_181 = tpu.memref_slice %arg4[%dma_start3A_179, %add3A_171, %dma_start3A_180] : memref<4x4096x1024xf32, #tpu.memory_space<hbm>> -> memref<4x4x1024xf32, #tpu.memory_space<hbm>>
      %dma_start3A_182 = tpu.memref_slice %arg10[%dma_start3A_173] : memref<2x!tpu.dma_semaphore, #tpu.memory_space<semaphore_mem>> -> memref<1x!tpu.dma_semaphore, #tpu.memory_space<semaphore_mem>>
      %dma_start3A_183 = tpu.memref_squeeze %dma_start3A_182 : memref<1x!tpu.dma_semaphore, #tpu.memory_space<semaphore_mem>> -> memref<!tpu.dma_semaphore, #tpu.memory_space<semaphore_mem>>
      %dma_start3A_184 = arith.constant 0 : i32
      %dma_start3A_185 = arith.constant 0 : i32
      %dma_start3A_186 = tpu.memref_slice %arg4[%dma_start3A_184, %add3A_171, %dma_start3A_185] : memref<4x4096x1024xf32, #tpu.memory_space<hbm>> -> memref<4x4x1024xf32, #tpu.memory_space<hbm>>
      %dma_start3A_187 = arith.constant 0 : i32
      %dma_start3A_188 = arith.constant 0 : i32
      %dma_start3A_189 = arith.constant 0 : i32
      %dma_start3A_190 = tpu.memref_slice %arg7[%dma_start3A_172, %dma_start3A_187, %dma_start3A_188, %dma_start3A_189] : memref<2x4x4x1024xf32, #tpu.memory_space<vmem>> -> memref<1x4x4x1024xf32, #tpu.memory_space<vmem>>
      %dma_start3A_191 = tpu.memref_squeeze %dma_start3A_190 : memref<1x4x4x1024xf32, #tpu.memory_space<vmem>> -> memref<4x4x1024xf32, #tpu.memory_space<vmem>>
      tpu.enqueue_dma source(%dma_start3A_191 : memref<4x4x1024xf32, #tpu.memory_space<vmem>>) target(%dma_start3A_186 : memref<4x4x1024xf32, #tpu.memory_space<hbm>>) target_semaphore(%dma_start3A_183 : memref<!tpu.dma_semaphore, #tpu.memory_space<semaphore_mem>>)
      %add3A_192 = arith.constant 2 : i32
      %add3A_193 = arith.addi %add3A_125, %add3A_192 : i32
      %lt3A = arith.constant 32 : i32
      %lt3A_194 = arith.cmpi slt, %add3A_193, %lt3A : i32
      %convert_element_type3A_195 = arith.extui %lt3A_194 : i1 to i32
      %cond3A_196 = arith.constant 0 : i32
      %cond3A_197 = arith.cmpi ne, %convert_element_type3A_195, %cond3A_196 : i32
      scf.if %cond3A_197 {
        %add3A_276 = arith.constant 2 : i32
        %add3A_277 = arith.addi %add3A_125, %add3A_276 : i32
        %mul3A_278 = arith.constant 4 : i32
        %mul3A_279 = arith.muli %add3A_277, %mul3A_278 : i32
        %add3A_280 = arith.addi %mul3A_2, %mul3A_279 : i32
        %dma_start3A_281 = arith.constant 0 : i32
        %dma_start3A_282 = arith.constant 0 : i32
        %dma_start3A_283 = arith.constant 0 : i32
        %dma_start3A_284 = arith.constant 0 : i32
        %dma_start3A_285 = arith.constant 0 : i32
        %dma_start3A_286 = tpu.memref_slice %arg5[%dma_start3A_281, %dma_start3A_283, %dma_start3A_284, %dma_start3A_285] : memref<2x4x4x1024xf32, #tpu.memory_space<vmem>> -> memref<1x4x4x1024xf32, #tpu.memory_space<vmem>>
        %dma_start3A_287 = tpu.memref_squeeze %dma_start3A_286 : memref<1x4x4x1024xf32, #tpu.memory_space<vmem>> -> memref<4x4x1024xf32, #tpu.memory_space<vmem>>
        %dma_start3A_288 = arith.constant 0 : i32
        %dma_start3A_289 = arith.constant 0 : i32
        %dma_start3A_290 = tpu.memref_slice %arg2[%dma_start3A_288, %add3A_280, %dma_start3A_289] : memref<4x4096x1024xf32, #tpu.memory_space<hbm>> -> memref<4x4x1024xf32, #tpu.memory_space<hbm>>
        %dma_start3A_291 = tpu.memref_slice %arg8[%dma_start3A_282] : memref<2x!tpu.dma_semaphore, #tpu.memory_space<semaphore_mem>> -> memref<1x!tpu.dma_semaphore, #tpu.memory_space<semaphore_mem>>
        %dma_start3A_292 = tpu.memref_squeeze %dma_start3A_291 : memref<1x!tpu.dma_semaphore, #tpu.memory_space<semaphore_mem>> -> memref<!tpu.dma_semaphore, #tpu.memory_space<semaphore_mem>>
        %dma_start3A_293 = arith.constant 0 : i32
        %dma_start3A_294 = arith.constant 0 : i32
        %dma_start3A_295 = arith.constant 0 : i32
        %dma_start3A_296 = tpu.memref_slice %arg5[%dma_start3A_281, %dma_start3A_293, %dma_start3A_294, %dma_start3A_295] : memref<2x4x4x1024xf32, #tpu.memory_space<vmem>> -> memref<1x4x4x1024xf32, #tpu.memory_space<vmem>>
        %dma_start3A_297 = tpu.memref_squeeze %dma_start3A_296 : memref<1x4x4x1024xf32, #tpu.memory_space<vmem>> -> memref<4x4x1024xf32, #tpu.memory_space<vmem>>
        %dma_start3A_298 = arith.constant 0 : i32
        %dma_start3A_299 = arith.constant 0 : i32
        %dma_start3A_300 = tpu.memref_slice %arg2[%dma_start3A_298, %add3A_280, %dma_start3A_299] : memref<4x4096x1024xf32, #tpu.memory_space<hbm>> -> memref<4x4x1024xf32, #tpu.memory_space<hbm>>
        tpu.enqueue_dma source(%dma_start3A_300 : memref<4x4x1024xf32, #tpu.memory_space<hbm>>) target(%dma_start3A_297 : memref<4x4x1024xf32, #tpu.memory_space<vmem>>) target_semaphore(%dma_start3A_292 : memref<!tpu.dma_semaphore, #tpu.memory_space<semaphore_mem>>)
        %dma_start3A_301 = arith.constant 0 : i32
        %dma_start3A_302 = arith.constant 0 : i32
        %dma_start3A_303 = arith.constant 0 : i32
        %dma_start3A_304 = arith.constant 0 : i32
        %dma_start3A_305 = tpu.memref_slice %arg6[%dma_start3A_301, %dma_start3A_303, %dma_start3A_304] : memref<2x4x1024xf32, #tpu.memory_space<vmem>> -> memref<1x4x1024xf32, #tpu.memory_space<vmem>>
        %dma_start3A_306 = tpu.memref_squeeze %dma_start3A_305 : memref<1x4x1024xf32, #tpu.memory_space<vmem>> -> memref<4x1024xf32, #tpu.memory_space<vmem>>
        %dma_start3A_307 = arith.constant 0 : i32
        %dma_start3A_308 = tpu.memref_slice %arg3[%add3A_280, %dma_start3A_307] : memref<4096x1024xf32, #tpu.memory_space<hbm>> -> memref<4x1024xf32, #tpu.memory_space<hbm>>
        %dma_start3A_309 = tpu.memref_slice %arg9[%dma_start3A_302] : memref<2x!tpu.dma_semaphore, #tpu.memory_space<semaphore_mem>> -> memref<1x!tpu.dma_semaphore, #tpu.memory_space<semaphore_mem>>
        %dma_start3A_310 = tpu.memref_squeeze %dma_start3A_309 : memref<1x!tpu.dma_semaphore, #tpu.memory_space<semaphore_mem>> -> memref<!tpu.dma_semaphore, #tpu.memory_space<semaphore_mem>>
        %dma_start3A_311 = arith.constant 0 : i32
        %dma_start3A_312 = arith.constant 0 : i32
        %dma_start3A_313 = tpu.memref_slice %arg6[%dma_start3A_301, %dma_start3A_311, %dma_start3A_312] : memref<2x4x1024xf32, #tpu.memory_space<vmem>> -> memref<1x4x1024xf32, #tpu.memory_space<vmem>>
        %dma_start3A_314 = tpu.memref_squeeze %dma_start3A_313 : memref<1x4x1024xf32, #tpu.memory_space<vmem>> -> memref<4x1024xf32, #tpu.memory_space<vmem>>
        %dma_start3A_315 = arith.constant 0 : i32
        %dma_start3A_316 = tpu.memref_slice %arg3[%add3A_280, %dma_start3A_315] : memref<4096x1024xf32, #tpu.memory_space<hbm>> -> memref<4x1024xf32, #tpu.memory_space<hbm>>
        tpu.enqueue_dma source(%dma_start3A_316 : memref<4x1024xf32, #tpu.memory_space<hbm>>) target(%dma_start3A_314 : memref<4x1024xf32, #tpu.memory_space<vmem>>) target_semaphore(%dma_start3A_310 : memref<!tpu.dma_semaphore, #tpu.memory_space<semaphore_mem>>)
      } else {
      }
      %dma_wait3A_198 = arith.constant 1 : i32
      %dma_wait3A_199 = arith.constant 1 : i32
      %dma_wait3A_200 = arith.constant 0 : i32
      %dma_wait3A_201 = arith.constant 0 : i32
      %dma_wait3A_202 = arith.constant 0 : i32
      %dma_wait3A_203 = tpu.memref_slice %arg5[%dma_wait3A_198, %dma_wait3A_200, %dma_wait3A_201, %dma_wait3A_202] : memref<2x4x4x1024xf32, #tpu.memory_space<vmem>> -> memref<1x4x4x1024xf32, #tpu.memory_space<vmem>>
      %dma_wait3A_204 = tpu.memref_squeeze %dma_wait3A_203 : memref<1x4x4x1024xf32, #tpu.memory_space<vmem>> -> memref<4x4x1024xf32, #tpu.memory_space<vmem>>
      %dma_wait3A_205 = arith.constant 0 : i32
      %dma_wait3A_206 = arith.constant 0 : i32
      %dma_wait3A_207 = tpu.memref_slice %arg2[%dma_wait3A_205, %mul3A_2, %dma_wait3A_206] : memref<4x4096x1024xf32, #tpu.memory_space<hbm>> -> memref<4x4x1024xf32, #tpu.memory_space<hbm>>
      %dma_wait3A_208 = tpu.memref_slice %arg8[%dma_wait3A_199] : memref<2x!tpu.dma_semaphore, #tpu.memory_space<semaphore_mem>> -> memref<1x!tpu.dma_semaphore, #tpu.memory_space<semaphore_mem>>
      %dma_wait3A_209 = tpu.memref_squeeze %dma_wait3A_208 : memref<1x!tpu.dma_semaphore, #tpu.memory_space<semaphore_mem>> -> memref<!tpu.dma_semaphore, #tpu.memory_space<semaphore_mem>>
      %dma_wait3A_210 = arith.constant 0 : i32
      %dma_wait3A_211 = arith.constant 0 : i32
      %dma_wait3A_212 = arith.constant 0 : i32
      %dma_wait3A_213 = tpu.memref_slice %arg5[%dma_wait3A_198, %dma_wait3A_210, %dma_wait3A_211, %dma_wait3A_212] : memref<2x4x4x1024xf32, #tpu.memory_space<vmem>> -> memref<1x4x4x1024xf32, #tpu.memory_space<vmem>>
      %dma_wait3A_214 = tpu.memref_squeeze %dma_wait3A_213 : memref<1x4x4x1024xf32, #tpu.memory_space<vmem>> -> memref<4x4x1024xf32, #tpu.memory_space<vmem>>
      %dma_wait3A_215 = arith.constant 0 : i32
      %dma_wait3A_216 = arith.constant 0 : i32
      %dma_wait3A_217 = tpu.memref_slice %arg2[%dma_wait3A_215, %mul3A_2, %dma_wait3A_216] : memref<4x4096x1024xf32, #tpu.memory_space<hbm>> -> memref<4x4x1024xf32, #tpu.memory_space<hbm>>
      tpu.wait_dma2 semaphore(%dma_wait3A_209 : memref<!tpu.dma_semaphore, #tpu.memory_space<semaphore_mem>>) src(%dma_wait3A_217 : memref<4x4x1024xf32, #tpu.memory_space<hbm>>) dst(%dma_wait3A_214 : memref<4x4x1024xf32, #tpu.memory_space<vmem>>)
      %dma_wait3A_218 = arith.constant 1 : i32
      %dma_wait3A_219 = arith.constant 1 : i32
      %dma_wait3A_220 = arith.constant 0 : i32
      %dma_wait3A_221 = arith.constant 0 : i32
      %dma_wait3A_222 = tpu.memref_slice %arg6[%dma_wait3A_218, %dma_wait3A_220, %dma_wait3A_221] : memref<2x4x1024xf32, #tpu.memory_space<vmem>> -> memref<1x4x1024xf32, #tpu.memory_space<vmem>>
      %dma_wait3A_223 = tpu.memref_squeeze %dma_wait3A_222 : memref<1x4x1024xf32, #tpu.memory_space<vmem>> -> memref<4x1024xf32, #tpu.memory_space<vmem>>
      %dma_wait3A_224 = arith.constant 0 : i32
      %dma_wait3A_225 = tpu.memref_slice %arg3[%mul3A_2, %dma_wait3A_224] : memref<4096x1024xf32, #tpu.memory_space<hbm>> -> memref<4x1024xf32, #tpu.memory_space<hbm>>
      %dma_wait3A_226 = tpu.memref_slice %arg9[%dma_wait3A_219] : memref<2x!tpu.dma_semaphore, #tpu.memory_space<semaphore_mem>> -> memref<1x!tpu.dma_semaphore, #tpu.memory_space<semaphore_mem>>
      %dma_wait3A_227 = tpu.memref_squeeze %dma_wait3A_226 : memref<1x!tpu.dma_semaphore, #tpu.memory_space<semaphore_mem>> -> memref<!tpu.dma_semaphore, #tpu.memory_space<semaphore_mem>>
      %dma_wait3A_228 = arith.constant 0 : i32
      %dma_wait3A_229 = arith.constant 0 : i32
      %dma_wait3A_230 = tpu.memref_slice %arg6[%dma_wait3A_218, %dma_wait3A_228, %dma_wait3A_229] : memref<2x4x1024xf32, #tpu.memory_space<vmem>> -> memref<1x4x1024xf32, #tpu.memory_space<vmem>>
      %dma_wait3A_231 = tpu.memref_squeeze %dma_wait3A_230 : memref<1x4x1024xf32, #tpu.memory_space<vmem>> -> memref<4x1024xf32, #tpu.memory_space<vmem>>
      %dma_wait3A_232 = arith.constant 0 : i32
      %dma_wait3A_233 = tpu.memref_slice %arg3[%mul3A_2, %dma_wait3A_232] : memref<4096x1024xf32, #tpu.memory_space<hbm>> -> memref<4x1024xf32, #tpu.memory_space<hbm>>
      tpu.wait_dma2 semaphore(%dma_wait3A_227 : memref<!tpu.dma_semaphore, #tpu.memory_space<semaphore_mem>>) src(%dma_wait3A_233 : memref<4x1024xf32, #tpu.memory_space<hbm>>) dst(%dma_wait3A_231 : memref<4x1024xf32, #tpu.memory_space<vmem>>)
      %gt3A_234 = arith.constant 0 : i32
      %gt3A_235 = arith.cmpi sgt, %add3A_125, %gt3A_234 : i32
      %convert_element_type3A_236 = arith.extui %gt3A_235 : i1 to i32
      %cond3A_237 = arith.constant 0 : i32
      %cond3A_238 = arith.cmpi ne, %convert_element_type3A_236, %cond3A_237 : i32
      scf.if %cond3A_238 {
        %dma_wait3A_276 = arith.constant 1 : i32
        %dma_wait3A_277 = arith.constant 1 : i32
        %dma_wait3A_278 = arith.constant 0 : i32
        %dma_wait3A_279 = arith.constant 0 : i32
        %dma_wait3A_280 = arith.constant 0 : i32
        %dma_wait3A_281 = tpu.memref_slice %arg7[%dma_wait3A_276, %dma_wait3A_278, %dma_wait3A_279, %dma_wait3A_280] : memref<2x4x4x1024xf32, #tpu.memory_space<vmem>> -> memref<1x4x4x1024xf32, #tpu.memory_space<vmem>>
        %dma_wait3A_282 = tpu.memref_squeeze %dma_wait3A_281 : memref<1x4x4x1024xf32, #tpu.memory_space<vmem>> -> memref<4x4x1024xf32, #tpu.memory_space<vmem>>
        %dma_wait3A_283 = arith.constant 0 : i32
        %dma_wait3A_284 = arith.constant 0 : i32
        %dma_wait3A_285 = tpu.memref_slice %arg4[%dma_wait3A_283, %mul3A_2, %dma_wait3A_284] : memref<4x4096x1024xf32, #tpu.memory_space<hbm>> -> memref<4x4x1024xf32, #tpu.memory_space<hbm>>
        %dma_wait3A_286 = tpu.memref_slice %arg10[%dma_wait3A_277] : memref<2x!tpu.dma_semaphore, #tpu.memory_space<semaphore_mem>> -> memref<1x!tpu.dma_semaphore, #tpu.memory_space<semaphore_mem>>
        %dma_wait3A_287 = tpu.memref_squeeze %dma_wait3A_286 : memref<1x!tpu.dma_semaphore, #tpu.memory_space<semaphore_mem>> -> memref<!tpu.dma_semaphore, #tpu.memory_space<semaphore_mem>>
        %dma_wait3A_288 = arith.constant 0 : i32
        %dma_wait3A_289 = arith.constant 0 : i32
        %dma_wait3A_290 = tpu.memref_slice %arg4[%dma_wait3A_288, %mul3A_2, %dma_wait3A_289] : memref<4x4096x1024xf32, #tpu.memory_space<hbm>> -> memref<4x4x1024xf32, #tpu.memory_space<hbm>>
        %dma_wait3A_291 = arith.constant 0 : i32
        %dma_wait3A_292 = arith.constant 0 : i32
        %dma_wait3A_293 = arith.constant 0 : i32
        %dma_wait3A_294 = tpu.memref_slice %arg7[%dma_wait3A_276, %dma_wait3A_291, %dma_wait3A_292, %dma_wait3A_293] : memref<2x4x4x1024xf32, #tpu.memory_space<vmem>> -> memref<1x4x4x1024xf32, #tpu.memory_space<vmem>>
        %dma_wait3A_295 = tpu.memref_squeeze %dma_wait3A_294 : memref<1x4x4x1024xf32, #tpu.memory_space<vmem>> -> memref<4x4x1024xf32, #tpu.memory_space<vmem>>
        tpu.wait_dma2 semaphore(%dma_wait3A_287 : memref<!tpu.dma_semaphore, #tpu.memory_space<semaphore_mem>>) src(%dma_wait3A_295 : memref<4x4x1024xf32, #tpu.memory_space<vmem>>) dst(%dma_wait3A_290 : memref<4x4x1024xf32, #tpu.memory_space<hbm>>)
      } else {
      }
      %scan3A_239 = arith.constant 0 : i32
      %scan3A_240 = arith.constant 4 : i32
      %scan3A_241 = arith.addi %scan3A_239, %scan3A_240 : i32
      %scan3A_242 = arith.constant 1 : i32
      scf.for %scan3A_276 = %scan3A_239 to %scan3A_241 step %scan3A_242  : i32 {
        %mul3A_277 = arith.constant 1 : i32
        %mul3A_278 = arith.muli %scan3A_276, %mul3A_277 : i32
        %add3A_279 = arith.constant 0 : i32
        %add3A_280 = arith.addi %add3A_279, %mul3A_278 : i32
        %scan3A_281 = arith.constant 0 : i32
        %scan3A_282 = arith.constant 16 : i32
        %scan3A_283 = arith.addi %scan3A_281, %scan3A_282 : i32
        %scan3A_284 = arith.constant 1 : i32
        scf.for %scan3A_286 = %scan3A_281 to %scan3A_283 step %scan3A_284  : i32 {
          %mul3A_287 = arith.constant 64 : i32
          %mul3A_288 = arith.muli %scan3A_286, %mul3A_287 : i32
          %add3A_289 = arith.constant 0 : i32
          %add3A_290 = arith.addi %add3A_289, %mul3A_288 : i32
          %add3A_291 = arith.constant 0 : i32
          %add3A_292 = arith.addi %add3A_290, %add3A_291 : i32
          %get3A = arith.constant 1 : i32
          %get3A_293 = arith.index_cast %get3A : i32 to index
          %get3A_294 = arith.index_cast %add3A_280 : i32 to index
          %get3A_295 = arith.index_cast %add3A_292 : i32 to index
          %get3A_296 = tpu.vector_load %arg6[%get3A_293, %get3A_294, %get3A_295] {strides = array<i32>} : memref<2x4x1024xf32, #tpu.memory_space<vmem>>, vector<1x1x16xf32>,
          %get3A_297 = vector.shape_cast %get3A_296 : vector<1x1x16xf32> to vector<16xf32>
          %get3A_298 = arith.constant 1 : i32
          %get3A_299 = arith.constant 0 : i32
          %get3A_300 = arith.index_cast %get3A_298 : i32 to index
          %get3A_301 = arith.index_cast %get3A_299 : i32 to index
          %get3A_302 = arith.index_cast %add3A_280 : i32 to index
          %get3A_303 = arith.index_cast %add3A_292 : i32 to index
          %get3A_304 = tpu.vector_load %arg5[%get3A_300, %get3A_301, %get3A_302, %get3A_303] {strides = array<i32>} : memref<2x4x4x1024xf32, #tpu.memory_space<vmem>>, vector<1x1x1x16xf32>,
          %get3A_305 = vector.shape_cast %get3A_304 : vector<1x1x1x16xf32> to vector<16xf32>
          %add3A_306 = arith.addf %get3A_305, %get3A_297 : vector<16xf32>
          %swap3A = arith.constant 1 : i32
          %swap3A_307 = arith.constant 0 : i32
          %swap3A_308 = arith.index_cast %swap3A : i32 to index
          %swap3A_309 = arith.index_cast %swap3A_307 : i32 to index
          %swap3A_310 = arith.index_cast %add3A_280 : i32 to index
          %swap3A_311 = arith.index_cast %add3A_292 : i32 to index
          %swap3A_312 = tpu.vector_load %arg7[%swap3A_308, %swap3A_309, %swap3A_310, %swap3A_311] {strides = array<i32>} : memref<2x4x4x1024xf32, #tpu.memory_space<vmem>>, vector<1x1x1x16xf32>,
          %swap3A_313 = vector.shape_cast %swap3A_312 : vector<1x1x1x16xf32> to vector<16xf32>
          %swap3A_314 = vector.shape_cast %add3A_306 : vector<16xf32> to vector<1x1x1x16xf32>
          tpu.vector_store %arg7[%swap3A_308, %swap3A_309, %swap3A_310, %swap3A_311], %swap3A_314 {strides = array<i32>} : memref<2x4x4x1024xf32, #tpu.memory_space<vmem>>, vector<1x1x1x16xf32>,
          %get3A_315 = arith.constant 1 : i32
          %get3A_316 = arith.constant 1 : i32
          %get3A_317 = arith.index_cast %get3A_315 : i32 to index
          %get3A_318 = arith.index_cast %get3A_316 : i32 to index
          %get3A_319 = arith.index_cast %add3A_280 : i32 to index
          %get3A_320 = arith.index_cast %add3A_292 : i32 to index
          %get3A_321 = tpu.vector_load %arg5[%get3A_317, %get3A_318, %get3A_319, %get3A_320] {strides = array<i32>} : memref<2x4x4x1024xf32, #tpu.memory_space<vmem>>, vector<1x1x1x16xf32>,
          %get3A_322 = vector.shape_cast %get3A_321 : vector<1x1x1x16xf32> to vector<16xf32>
          %add3A_323 = arith.addf %get3A_322, %get3A_297 : vector<16xf32>
          %swap3A_324 = arith.constant 1 : i32
          %swap3A_325 = arith.constant 1 : i32
          %swap3A_326 = arith.index_cast %swap3A_324 : i32 to index
          %swap3A_327 = arith.index_cast %swap3A_325 : i32 to index
          %swap3A_328 = arith.index_cast %add3A_280 : i32 to index
          %swap3A_329 = arith.index_cast %add3A_292 : i32 to index
          %swap3A_330 = tpu.vector_load %arg7[%swap3A_326, %swap3A_327, %swap3A_328, %swap3A_329] {strides = array<i32>} : memref<2x4x4x1024xf32, #tpu.memory_space<vmem>>, vector<1x1x1x16xf32>,
          %swap3A_331 = vector.shape_cast %swap3A_330 : vector<1x1x1x16xf32> to vector<16xf32>
          %swap3A_332 = vector.shape_cast %add3A_323 : vector<16xf32> to vector<1x1x1x16xf32>
          tpu.vector_store %arg7[%swap3A_326, %swap3A_327, %swap3A_328, %swap3A_329], %swap3A_332 {strides = array<i32>} : memref<2x4x4x1024xf32, #tpu.memory_space<vmem>>, vector<1x1x1x16xf32>,
          %get3A_333 = arith.constant 1 : i32
          %get3A_334 = arith.constant 2 : i32
          %get3A_335 = arith.index_cast %get3A_333 : i32 to index
          %get3A_336 = arith.index_cast %get3A_334 : i32 to index
          %get3A_337 = arith.index_cast %add3A_280 : i32 to index
          %get3A_338 = arith.index_cast %add3A_292 : i32 to index
          %get3A_339 = tpu.vector_load %arg5[%get3A_335, %get3A_336, %get3A_337, %get3A_338] {strides = array<i32>} : memref<2x4x4x1024xf32, #tpu.memory_space<vmem>>, vector<1x1x1x16xf32>,
          %get3A_340 = vector.shape_cast %get3A_339 : vector<1x1x1x16xf32> to vector<16xf32>
          %add3A_341 = arith.addf %get3A_340, %get3A_297 : vector<16xf32>
          %swap3A_342 = arith.constant 1 : i32
          %swap3A_343 = arith.constant 2 : i32
          %swap3A_344 = arith.index_cast %swap3A_342 : i32 to index
          %swap3A_345 = arith.index_cast %swap3A_343 : i32 to index
          %swap3A_346 = arith.index_cast %add3A_280 : i32 to index
          %swap3A_347 = arith.index_cast %add3A_292 : i32 to index
          %swap3A_348 = tpu.vector_load %arg7[%swap3A_344, %swap3A_345, %swap3A_346, %swap3A_347] {strides = array<i32>} : memref<2x4x4x1024xf32, #tpu.memory_space<vmem>>, vector<1x1x1x16xf32>,
          %swap3A_349 = vector.shape_cast %swap3A_348 : vector<1x1x1x16xf32> to vector<16xf32>
          %swap3A_350 = vector.shape_cast %add3A_341 : vector<16xf32> to vector<1x1x1x16xf32>
          tpu.vector_store %arg7[%swap3A_344, %swap3A_345, %swap3A_346, %swap3A_347], %swap3A_350 {strides = array<i32>} : memref<2x4x4x1024xf32, #tpu.memory_space<vmem>>, vector<1x1x1x16xf32>,
          %get3A_351 = arith.constant 1 : i32
          %get3A_352 = arith.constant 3 : i32
          %get3A_353 = arith.index_cast %get3A_351 : i32 to index
          %get3A_354 = arith.index_cast %get3A_352 : i32 to index
          %get3A_355 = arith.index_cast %add3A_280 : i32 to index
          %get3A_356 = arith.index_cast %add3A_292 : i32 to index
          %get3A_357 = tpu.vector_load %arg5[%get3A_353, %get3A_354, %get3A_355, %get3A_356] {strides = array<i32>} : memref<2x4x4x1024xf32, #tpu.memory_space<vmem>>, vector<1x1x1x16xf32>,
          %get3A_358 = vector.shape_cast %get3A_357 : vector<1x1x1x16xf32> to vector<16xf32>
          %add3A_359 = arith.addf %get3A_358, %get3A_297 : vector<16xf32>
          %swap3A_360 = arith.constant 1 : i32
          %swap3A_361 = arith.constant 3 : i32
          %swap3A_362 = arith.index_cast %swap3A_360 : i32 to index
          %swap3A_363 = arith.index_cast %swap3A_361 : i32 to index
          %swap3A_364 = arith.index_cast %add3A_280 : i32 to index
          %swap3A_365 = arith.index_cast %add3A_292 : i32 to index
          %swap3A_366 = tpu.vector_load %arg7[%swap3A_362, %swap3A_363, %swap3A_364, %swap3A_365] {strides = array<i32>} : memref<2x4x4x1024xf32, #tpu.memory_space<vmem>>, vector<1x1x1x16xf32>,
          %swap3A_367 = vector.shape_cast %swap3A_366 : vector<1x1x1x16xf32> to vector<16xf32>
          %swap3A_368 = vector.shape_cast %add3A_359 : vector<16xf32> to vector<1x1x1x16xf32>
          tpu.vector_store %arg7[%swap3A_362, %swap3A_363, %swap3A_364, %swap3A_365], %swap3A_368 {strides = array<i32>} : memref<2x4x4x1024xf32, #tpu.memory_space<vmem>>, vector<1x1x1x16xf32>,
          %add3A_369 = arith.constant 16 : i32
          %add3A_370 = arith.addi %add3A_290, %add3A_369 : i32
          %get3A_371 = arith.constant 1 : i32
          %get3A_372 = arith.index_cast %get3A_371 : i32 to index
          %get3A_373 = arith.index_cast %add3A_280 : i32 to index
          %get3A_374 = arith.index_cast %add3A_370 : i32 to index
          %get3A_375 = tpu.vector_load %arg6[%get3A_372, %get3A_373, %get3A_374] {strides = array<i32>} : memref<2x4x1024xf32, #tpu.memory_space<vmem>>, vector<1x1x16xf32>,
          %get3A_376 = vector.shape_cast %get3A_375 : vector<1x1x16xf32> to vector<16xf32>
          %get3A_377 = arith.constant 1 : i32
          %get3A_378 = arith.constant 0 : i32
          %get3A_379 = arith.index_cast %get3A_377 : i32 to index
          %get3A_380 = arith.index_cast %get3A_378 : i32 to index
          %get3A_381 = arith.index_cast %add3A_280 : i32 to index
          %get3A_382 = arith.index_cast %add3A_370 : i32 to index
          %get3A_383 = tpu.vector_load %arg5[%get3A_379, %get3A_380, %get3A_381, %get3A_382] {strides = array<i32>} : memref<2x4x4x1024xf32, #tpu.memory_space<vmem>>, vector<1x1x1x16xf32>,
          %get3A_384 = vector.shape_cast %get3A_383 : vector<1x1x1x16xf32> to vector<16xf32>
          %add3A_385 = arith.addf %get3A_384, %get3A_376 : vector<16xf32>
          %swap3A_386 = arith.constant 1 : i32
          %swap3A_387 = arith.constant 0 : i32
          %swap3A_388 = arith.index_cast %swap3A_386 : i32 to index
          %swap3A_389 = arith.index_cast %swap3A_387 : i32 to index
          %swap3A_390 = arith.index_cast %add3A_280 : i32 to index
          %swap3A_391 = arith.index_cast %add3A_370 : i32 to index
          %swap3A_392 = tpu.vector_load %arg7[%swap3A_388, %swap3A_389, %swap3A_390, %swap3A_391] {strides = array<i32>} : memref<2x4x4x1024xf32, #tpu.memory_space<vmem>>, vector<1x1x1x16xf32>,
          %swap3A_393 = vector.shape_cast %swap3A_392 : vector<1x1x1x16xf32> to vector<16xf32>
          %swap3A_394 = vector.shape_cast %add3A_385 : vector<16xf32> to vector<1x1x1x16xf32>
          tpu.vector_store %arg7[%swap3A_388, %swap3A_389, %swap3A_390, %swap3A_391], %swap3A_394 {strides = array<i32>} : memref<2x4x4x1024xf32, #tpu.memory_space<vmem>>, vector<1x1x1x16xf32>,
          %get3A_395 = arith.constant 1 : i32
          %get3A_396 = arith.constant 1 : i32
          %get3A_397 = arith.index_cast %get3A_395 : i32 to index
          %get3A_398 = arith.index_cast %get3A_396 : i32 to index
          %get3A_399 = arith.index_cast %add3A_280 : i32 to index
          %get3A_400 = arith.index_cast %add3A_370 : i32 to index
          %get3A_401 = tpu.vector_load %arg5[%get3A_397, %get3A_398, %get3A_399, %get3A_400] {strides = array<i32>} : memref<2x4x4x1024xf32, #tpu.memory_space<vmem>>, vector<1x1x1x16xf32>,
          %get3A_402 = vector.shape_cast %get3A_401 : vector<1x1x1x16xf32> to vector<16xf32>
          %add3A_403 = arith.addf %get3A_402, %get3A_376 : vector<16xf32>
          %swap3A_404 = arith.constant 1 : i32
          %swap3A_405 = arith.constant 1 : i32
          %swap3A_406 = arith.index_cast %swap3A_404 : i32 to index
          %swap3A_407 = arith.index_cast %swap3A_405 : i32 to index
          %swap3A_408 = arith.index_cast %add3A_280 : i32 to index
          %swap3A_409 = arith.index_cast %add3A_370 : i32 to index
          %swap3A_410 = tpu.vector_load %arg7[%swap3A_406, %swap3A_407, %swap3A_408, %swap3A_409] {strides = array<i32>} : memref<2x4x4x1024xf32, #tpu.memory_space<vmem>>, vector<1x1x1x16xf32>,
          %swap3A_411 = vector.shape_cast %swap3A_410 : vector<1x1x1x16xf32> to vector<16xf32>
          %swap3A_412 = vector.shape_cast %add3A_403 : vector<16xf32> to vector<1x1x1x16xf32>
          tpu.vector_store %arg7[%swap3A_406, %swap3A_407, %swap3A_408, %swap3A_409], %swap3A_412 {strides = array<i32>} : memref<2x4x4x1024xf32, #tpu.memory_space<vmem>>, vector<1x1x1x16xf32>,
          %get3A_413 = arith.constant 1 : i32
          %get3A_414 = arith.constant 2 : i32
          %get3A_415 = arith.index_cast %get3A_413 : i32 to index
          %get3A_416 = arith.index_cast %get3A_414 : i32 to index
          %get3A_417 = arith.index_cast %add3A_280 : i32 to index
          %get3A_418 = arith.index_cast %add3A_370 : i32 to index
          %get3A_419 = tpu.vector_load %arg5[%get3A_415, %get3A_416, %get3A_417, %get3A_418] {strides = array<i32>} : memref<2x4x4x1024xf32, #tpu.memory_space<vmem>>, vector<1x1x1x16xf32>,
          %get3A_420 = vector.shape_cast %get3A_419 : vector<1x1x1x16xf32> to vector<16xf32>
          %add3A_421 = arith.addf %get3A_420, %get3A_376 : vector<16xf32>
          %swap3A_422 = arith.constant 1 : i32
          %swap3A_423 = arith.constant 2 : i32
          %swap3A_424 = arith.index_cast %swap3A_422 : i32 to index
          %swap3A_425 = arith.index_cast %swap3A_423 : i32 to index
          %swap3A_426 = arith.index_cast %add3A_280 : i32 to index
          %swap3A_427 = arith.index_cast %add3A_370 : i32 to index
          %swap3A_428 = tpu.vector_load %arg7[%swap3A_424, %swap3A_425, %swap3A_426, %swap3A_427] {strides = array<i32>} : memref<2x4x4x1024xf32, #tpu.memory_space<vmem>>, vector<1x1x1x16xf32>,
          %swap3A_429 = vector.shape_cast %swap3A_428 : vector<1x1x1x16xf32> to vector<16xf32>
          %swap3A_430 = vector.shape_cast %add3A_421 : vector<16xf32> to vector<1x1x1x16xf32>
          tpu.vector_store %arg7[%swap3A_424, %swap3A_425, %swap3A_426, %swap3A_427], %swap3A_430 {strides = array<i32>} : memref<2x4x4x1024xf32, #tpu.memory_space<vmem>>, vector<1x1x1x16xf32>,
          %get3A_431 = arith.constant 1 : i32
          %get3A_432 = arith.constant 3 : i32
          %get3A_433 = arith.index_cast %get3A_431 : i32 to index
          %get3A_434 = arith.index_cast %get3A_432 : i32 to index
          %get3A_435 = arith.index_cast %add3A_280 : i32 to index
          %get3A_436 = arith.index_cast %add3A_370 : i32 to index
          %get3A_437 = tpu.vector_load %arg5[%get3A_433, %get3A_434, %get3A_435, %get3A_436] {strides = array<i32>} : memref<2x4x4x1024xf32, #tpu.memory_space<vmem>>, vector<1x1x1x16xf32>,
          %get3A_438 = vector.shape_cast %get3A_437 : vector<1x1x1x16xf32> to vector<16xf32>
          %add3A_439 = arith.addf %get3A_438, %get3A_376 : vector<16xf32>
          %swap3A_440 = arith.constant 1 : i32
          %swap3A_441 = arith.constant 3 : i32
          %swap3A_442 = arith.index_cast %swap3A_440 : i32 to index
          %swap3A_443 = arith.index_cast %swap3A_441 : i32 to index
          %swap3A_444 = arith.index_cast %add3A_280 : i32 to index
          %swap3A_445 = arith.index_cast %add3A_370 : i32 to index
          %swap3A_446 = tpu.vector_load %arg7[%swap3A_442, %swap3A_443, %swap3A_444, %swap3A_445] {strides = array<i32>} : memref<2x4x4x1024xf32, #tpu.memory_space<vmem>>, vector<1x1x1x16xf32>,
          %swap3A_447 = vector.shape_cast %swap3A_446 : vector<1x1x1x16xf32> to vector<16xf32>
          %swap3A_448 = vector.shape_cast %add3A_439 : vector<16xf32> to vector<1x1x1x16xf32>
          tpu.vector_store %arg7[%swap3A_442, %swap3A_443, %swap3A_444, %swap3A_445], %swap3A_448 {strides = array<i32>} : memref<2x4x4x1024xf32, #tpu.memory_space<vmem>>, vector<1x1x1x16xf32>,
          %add3A_449 = arith.constant 32 : i32
          %add3A_450 = arith.addi %add3A_290, %add3A_449 : i32
          %get3A_451 = arith.constant 1 : i32
          %get3A_452 = arith.index_cast %get3A_451 : i32 to index
          %get3A_453 = arith.index_cast %add3A_280 : i32 to index
          %get3A_454 = arith.index_cast %add3A_450 : i32 to index
          %get3A_455 = tpu.vector_load %arg6[%get3A_452, %get3A_453, %get3A_454] {strides = array<i32>} : memref<2x4x1024xf32, #tpu.memory_space<vmem>>, vector<1x1x16xf32>,
          %get3A_456 = vector.shape_cast %get3A_455 : vector<1x1x16xf32> to vector<16xf32>
          %get3A_457 = arith.constant 1 : i32
          %get3A_458 = arith.constant 0 : i32
          %get3A_459 = arith.index_cast %get3A_457 : i32 to index
          %get3A_460 = arith.index_cast %get3A_458 : i32 to index
          %get3A_461 = arith.index_cast %add3A_280 : i32 to index
          %get3A_462 = arith.index_cast %add3A_450 : i32 to index
          %get3A_463 = tpu.vector_load %arg5[%get3A_459, %get3A_460, %get3A_461, %get3A_462] {strides = array<i32>} : memref<2x4x4x1024xf32, #tpu.memory_space<vmem>>, vector<1x1x1x16xf32>,
          %get3A_464 = vector.shape_cast %get3A_463 : vector<1x1x1x16xf32> to vector<16xf32>
          %add3A_465 = arith.addf %get3A_464, %get3A_456 : vector<16xf32>
          %swap3A_466 = arith.constant 1 : i32
          %swap3A_467 = arith.constant 0 : i32
          %swap3A_468 = arith.index_cast %swap3A_466 : i32 to index
          %swap3A_469 = arith.index_cast %swap3A_467 : i32 to index
          %swap3A_470 = arith.index_cast %add3A_280 : i32 to index
          %swap3A_471 = arith.index_cast %add3A_450 : i32 to index
          %swap3A_472 = tpu.vector_load %arg7[%swap3A_468, %swap3A_469, %swap3A_470, %swap3A_471] {strides = array<i32>} : memref<2x4x4x1024xf32, #tpu.memory_space<vmem>>, vector<1x1x1x16xf32>,
          %swap3A_473 = vector.shape_cast %swap3A_472 : vector<1x1x1x16xf32> to vector<16xf32>
          %swap3A_474 = vector.shape_cast %add3A_465 : vector<16xf32> to vector<1x1x1x16xf32>
          tpu.vector_store %arg7[%swap3A_468, %swap3A_469, %swap3A_470, %swap3A_471], %swap3A_474 {strides = array<i32>} : memref<2x4x4x1024xf32, #tpu.memory_space<vmem>>, vector<1x1x1x16xf32>,
          %get3A_475 = arith.constant 1 : i32
          %get3A_476 = arith.constant 1 : i32
          %get3A_477 = arith.index_cast %get3A_475 : i32 to index
          %get3A_478 = arith.index_cast %get3A_476 : i32 to index
          %get3A_479 = arith.index_cast %add3A_280 : i32 to index
          %get3A_480 = arith.index_cast %add3A_450 : i32 to index
          %get3A_481 = tpu.vector_load %arg5[%get3A_477, %get3A_478, %get3A_479, %get3A_480] {strides = array<i32>} : memref<2x4x4x1024xf32, #tpu.memory_space<vmem>>, vector<1x1x1x16xf32>,
          %get3A_482 = vector.shape_cast %get3A_481 : vector<1x1x1x16xf32> to vector<16xf32>
          %add3A_483 = arith.addf %get3A_482, %get3A_456 : vector<16xf32>
          %swap3A_484 = arith.constant 1 : i32
          %swap3A_485 = arith.constant 1 : i32
          %swap3A_486 = arith.index_cast %swap3A_484 : i32 to index
          %swap3A_487 = arith.index_cast %swap3A_485 : i32 to index
          %swap3A_488 = arith.index_cast %add3A_280 : i32 to index
          %swap3A_489 = arith.index_cast %add3A_450 : i32 to index
          %swap3A_490 = tpu.vector_load %arg7[%swap3A_486, %swap3A_487, %swap3A_488, %swap3A_489] {strides = array<i32>} : memref<2x4x4x1024xf32, #tpu.memory_space<vmem>>, vector<1x1x1x16xf32>,
          %swap3A_491 = vector.shape_cast %swap3A_490 : vector<1x1x1x16xf32> to vector<16xf32>
          %swap3A_492 = vector.shape_cast %add3A_483 : vector<16xf32> to vector<1x1x1x16xf32>
          tpu.vector_store %arg7[%swap3A_486, %swap3A_487, %swap3A_488, %swap3A_489], %swap3A_492 {strides = array<i32>} : memref<2x4x4x1024xf32, #tpu.memory_space<vmem>>, vector<1x1x1x16xf32>,
          %get3A_493 = arith.constant 1 : i32
          %get3A_494 = arith.constant 2 : i32
          %get3A_495 = arith.index_cast %get3A_493 : i32 to index
          %get3A_496 = arith.index_cast %get3A_494 : i32 to index
          %get3A_497 = arith.index_cast %add3A_280 : i32 to index
          %get3A_498 = arith.index_cast %add3A_450 : i32 to index
          %get3A_499 = tpu.vector_load %arg5[%get3A_495, %get3A_496, %get3A_497, %get3A_498] {strides = array<i32>} : memref<2x4x4x1024xf32, #tpu.memory_space<vmem>>, vector<1x1x1x16xf32>,
          %get3A_500 = vector.shape_cast %get3A_499 : vector<1x1x1x16xf32> to vector<16xf32>
          %add3A_501 = arith.addf %get3A_500, %get3A_456 : vector<16xf32>
          %swap3A_502 = arith.constant 1 : i32
          %swap3A_503 = arith.constant 2 : i32
          %swap3A_504 = arith.index_cast %swap3A_502 : i32 to index
          %swap3A_505 = arith.index_cast %swap3A_503 : i32 to index
          %swap3A_506 = arith.index_cast %add3A_280 : i32 to index
          %swap3A_507 = arith.index_cast %add3A_450 : i32 to index
          %swap3A_508 = tpu.vector_load %arg7[%swap3A_504, %swap3A_505, %swap3A_506, %swap3A_507] {strides = array<i32>} : memref<2x4x4x1024xf32, #tpu.memory_space<vmem>>, vector<1x1x1x16xf32>,
          %swap3A_509 = vector.shape_cast %swap3A_508 : vector<1x1x1x16xf32> to vector<16xf32>
          %swap3A_510 = vector.shape_cast %add3A_501 : vector<16xf32> to vector<1x1x1x16xf32>
          tpu.vector_store %arg7[%swap3A_504, %swap3A_505, %swap3A_506, %swap3A_507], %swap3A_510 {strides = array<i32>} : memref<2x4x4x1024xf32, #tpu.memory_space<vmem>>, vector<1x1x1x16xf32>,
          %get3A_511 = arith.constant 1 : i32
          %get3A_512 = arith.constant 3 : i32
          %get3A_513 = arith.index_cast %get3A_511 : i32 to index
          %get3A_514 = arith.index_cast %get3A_512 : i32 to index
          %get3A_515 = arith.index_cast %add3A_280 : i32 to index
          %get3A_516 = arith.index_cast %add3A_450 : i32 to index
          %get3A_517 = tpu.vector_load %arg5[%get3A_513, %get3A_514, %get3A_515, %get3A_516] {strides = array<i32>} : memref<2x4x4x1024xf32, #tpu.memory_space<vmem>>, vector<1x1x1x16xf32>,
          %get3A_518 = vector.shape_cast %get3A_517 : vector<1x1x1x16xf32> to vector<16xf32>
          %add3A_519 = arith.addf %get3A_518, %get3A_456 : vector<16xf32>
          %swap3A_520 = arith.constant 1 : i32
          %swap3A_521 = arith.constant 3 : i32
          %swap3A_522 = arith.index_cast %swap3A_520 : i32 to index
          %swap3A_523 = arith.index_cast %swap3A_521 : i32 to index
          %swap3A_524 = arith.index_cast %add3A_280 : i32 to index
          %swap3A_525 = arith.index_cast %add3A_450 : i32 to index
          %swap3A_526 = tpu.vector_load %arg7[%swap3A_522, %swap3A_523, %swap3A_524, %swap3A_525] {strides = array<i32>} : memref<2x4x4x1024xf32, #tpu.memory_space<vmem>>, vector<1x1x1x16xf32>,
          %swap3A_527 = vector.shape_cast %swap3A_526 : vector<1x1x1x16xf32> to vector<16xf32>
          %swap3A_528 = vector.shape_cast %add3A_519 : vector<16xf32> to vector<1x1x1x16xf32>
          tpu.vector_store %arg7[%swap3A_522, %swap3A_523, %swap3A_524, %swap3A_525], %swap3A_528 {strides = array<i32>} : memref<2x4x4x1024xf32, #tpu.memory_space<vmem>>, vector<1x1x1x16xf32>,
          %add3A_529 = arith.constant 48 : i32
          %add3A_530 = arith.addi %add3A_290, %add3A_529 : i32
          %get3A_531 = arith.constant 1 : i32
          %get3A_532 = arith.index_cast %get3A_531 : i32 to index
          %get3A_533 = arith.index_cast %add3A_280 : i32 to index
          %get3A_534 = arith.index_cast %add3A_530 : i32 to index
          %get3A_535 = tpu.vector_load %arg6[%get3A_532, %get3A_533, %get3A_534] {strides = array<i32>} : memref<2x4x1024xf32, #tpu.memory_space<vmem>>, vector<1x1x16xf32>,
          %get3A_536 = vector.shape_cast %get3A_535 : vector<1x1x16xf32> to vector<16xf32>
          %get3A_537 = arith.constant 1 : i32
          %get3A_538 = arith.constant 0 : i32
          %get3A_539 = arith.index_cast %get3A_537 : i32 to index
          %get3A_540 = arith.index_cast %get3A_538 : i32 to index
          %get3A_541 = arith.index_cast %add3A_280 : i32 to index
          %get3A_542 = arith.index_cast %add3A_530 : i32 to index
          %get3A_543 = tpu.vector_load %arg5[%get3A_539, %get3A_540, %get3A_541, %get3A_542] {strides = array<i32>} : memref<2x4x4x1024xf32, #tpu.memory_space<vmem>>, vector<1x1x1x16xf32>,
          %get3A_544 = vector.shape_cast %get3A_543 : vector<1x1x1x16xf32> to vector<16xf32>
          %add3A_545 = arith.addf %get3A_544, %get3A_536 : vector<16xf32>
          %swap3A_546 = arith.constant 1 : i32
          %swap3A_547 = arith.constant 0 : i32
          %swap3A_548 = arith.index_cast %swap3A_546 : i32 to index
          %swap3A_549 = arith.index_cast %swap3A_547 : i32 to index
          %swap3A_550 = arith.index_cast %add3A_280 : i32 to index
          %swap3A_551 = arith.index_cast %add3A_530 : i32 to index
          %swap3A_552 = tpu.vector_load %arg7[%swap3A_548, %swap3A_549, %swap3A_550, %swap3A_551] {strides = array<i32>} : memref<2x4x4x1024xf32, #tpu.memory_space<vmem>>, vector<1x1x1x16xf32>,
          %swap3A_553 = vector.shape_cast %swap3A_552 : vector<1x1x1x16xf32> to vector<16xf32>
          %swap3A_554 = vector.shape_cast %add3A_545 : vector<16xf32> to vector<1x1x1x16xf32>
          tpu.vector_store %arg7[%swap3A_548, %swap3A_549, %swap3A_550, %swap3A_551], %swap3A_554 {strides = array<i32>} : memref<2x4x4x1024xf32, #tpu.memory_space<vmem>>, vector<1x1x1x16xf32>,
          %get3A_555 = arith.constant 1 : i32
          %get3A_556 = arith.constant 1 : i32
          %get3A_557 = arith.index_cast %get3A_555 : i32 to index
          %get3A_558 = arith.index_cast %get3A_556 : i32 to index
          %get3A_559 = arith.index_cast %add3A_280 : i32 to index
          %get3A_560 = arith.index_cast %add3A_530 : i32 to index
          %get3A_561 = tpu.vector_load %arg5[%get3A_557, %get3A_558, %get3A_559, %get3A_560] {strides = array<i32>} : memref<2x4x4x1024xf32, #tpu.memory_space<vmem>>, vector<1x1x1x16xf32>,
          %get3A_562 = vector.shape_cast %get3A_561 : vector<1x1x1x16xf32> to vector<16xf32>
          %add3A_563 = arith.addf %get3A_562, %get3A_536 : vector<16xf32>
          %swap3A_564 = arith.constant 1 : i32
          %swap3A_565 = arith.constant 1 : i32
          %swap3A_566 = arith.index_cast %swap3A_564 : i32 to index
          %swap3A_567 = arith.index_cast %swap3A_565 : i32 to index
          %swap3A_568 = arith.index_cast %add3A_280 : i32 to index
          %swap3A_569 = arith.index_cast %add3A_530 : i32 to index
          %swap3A_570 = tpu.vector_load %arg7[%swap3A_566, %swap3A_567, %swap3A_568, %swap3A_569] {strides = array<i32>} : memref<2x4x4x1024xf32, #tpu.memory_space<vmem>>, vector<1x1x1x16xf32>,
          %swap3A_571 = vector.shape_cast %swap3A_570 : vector<1x1x1x16xf32> to vector<16xf32>
          %swap3A_572 = vector.shape_cast %add3A_563 : vector<16xf32> to vector<1x1x1x16xf32>
          tpu.vector_store %arg7[%swap3A_566, %swap3A_567, %swap3A_568, %swap3A_569], %swap3A_572 {strides = array<i32>} : memref<2x4x4x1024xf32, #tpu.memory_space<vmem>>, vector<1x1x1x16xf32>,
          %get3A_573 = arith.constant 1 : i32
          %get3A_574 = arith.constant 2 : i32
          %get3A_575 = arith.index_cast %get3A_573 : i32 to index
          %get3A_576 = arith.index_cast %get3A_574 : i32 to index
          %get3A_577 = arith.index_cast %add3A_280 : i32 to index
          %get3A_578 = arith.index_cast %add3A_530 : i32 to index
          %get3A_579 = tpu.vector_load %arg5[%get3A_575, %get3A_576, %get3A_577, %get3A_578] {strides = array<i32>} : memref<2x4x4x1024xf32, #tpu.memory_space<vmem>>, vector<1x1x1x16xf32>,
          %get3A_580 = vector.shape_cast %get3A_579 : vector<1x1x1x16xf32> to vector<16xf32>
          %add3A_581 = arith.addf %get3A_580, %get3A_536 : vector<16xf32>
          %swap3A_582 = arith.constant 1 : i32
          %swap3A_583 = arith.constant 2 : i32
          %swap3A_584 = arith.index_cast %swap3A_582 : i32 to index
          %swap3A_585 = arith.index_cast %swap3A_583 : i32 to index
          %swap3A_586 = arith.index_cast %add3A_280 : i32 to index
          %swap3A_587 = arith.index_cast %add3A_530 : i32 to index
          %swap3A_588 = tpu.vector_load %arg7[%swap3A_584, %swap3A_585, %swap3A_586, %swap3A_587] {strides = array<i32>} : memref<2x4x4x1024xf32, #tpu.memory_space<vmem>>, vector<1x1x1x16xf32>,
          %swap3A_589 = vector.shape_cast %swap3A_588 : vector<1x1x1x16xf32> to vector<16xf32>
          %swap3A_590 = vector.shape_cast %add3A_581 : vector<16xf32> to vector<1x1x1x16xf32>
          tpu.vector_store %arg7[%swap3A_584, %swap3A_585, %swap3A_586, %swap3A_587], %swap3A_590 {strides = array<i32>} : memref<2x4x4x1024xf32, #tpu.memory_space<vmem>>, vector<1x1x1x16xf32>,
          %get3A_591 = arith.constant 1 : i32
          %get3A_592 = arith.constant 3 : i32
          %get3A_593 = arith.index_cast %get3A_591 : i32 to index
          %get3A_594 = arith.index_cast %get3A_592 : i32 to index
          %get3A_595 = arith.index_cast %add3A_280 : i32 to index
          %get3A_596 = arith.index_cast %add3A_530 : i32 to index
          %get3A_597 = tpu.vector_load %arg5[%get3A_593, %get3A_594, %get3A_595, %get3A_596] {strides = array<i32>} : memref<2x4x4x1024xf32, #tpu.memory_space<vmem>>, vector<1x1x1x16xf32>,
          %get3A_598 = vector.shape_cast %get3A_597 : vector<1x1x1x16xf32> to vector<16xf32>
          %add3A_599 = arith.addf %get3A_598, %get3A_536 : vector<16xf32>
          %swap3A_600 = arith.constant 1 : i32
          %swap3A_601 = arith.constant 3 : i32
          %swap3A_602 = arith.index_cast %swap3A_600 : i32 to index
          %swap3A_603 = arith.index_cast %swap3A_601 : i32 to index
          %swap3A_604 = arith.index_cast %add3A_280 : i32 to index
          %swap3A_605 = arith.index_cast %add3A_530 : i32 to index
          %swap3A_606 = tpu.vector_load %arg7[%swap3A_602, %swap3A_603, %swap3A_604, %swap3A_605] {strides = array<i32>} : memref<2x4x4x1024xf32, #tpu.memory_space<vmem>>, vector<1x1x1x16xf32>,
          %swap3A_607 = vector.shape_cast %swap3A_606 : vector<1x1x1x16xf32> to vector<16xf32>
          %swap3A_608 = vector.shape_cast %add3A_599 : vector<16xf32> to vector<1x1x1x16xf32>
          tpu.vector_store %arg7[%swap3A_602, %swap3A_603, %swap3A_604, %swap3A_605], %swap3A_608 {strides = array<i32>} : memref<2x4x4x1024xf32, #tpu.memory_space<vmem>>, vector<1x1x1x16xf32>,
        }
        %scan3A_285 = arith.constant 16 : i32
      }
      %scan3A_243 = arith.constant 4 : i32
      %add3A_244 = arith.constant 1 : i32
      %add3A_245 = arith.addi %add3A_125, %add3A_244 : i32
      %mul3A_246 = arith.constant 4 : i32
      %mul3A_247 = arith.muli %add3A_245, %mul3A_246 : i32
      %add3A_248 = arith.addi %mul3A_2, %mul3A_247 : i32
      %dma_start3A_249 = arith.constant 1 : i32
      %dma_start3A_250 = arith.constant 1 : i32
      %dma_start3A_251 = arith.constant 0 : i32
      %dma_start3A_252 = arith.constant 0 : i32
      %dma_start3A_253 = arith.constant 0 : i32
      %dma_start3A_254 = tpu.memref_slice %arg7[%dma_start3A_249, %dma_start3A_251, %dma_start3A_252, %dma_start3A_253] : memref<2x4x4x1024xf32, #tpu.memory_space<vmem>> -> memref<1x4x4x1024xf32, #tpu.memory_space<vmem>>
      %dma_start3A_255 = tpu.memref_squeeze %dma_start3A_254 : memref<1x4x4x1024xf32, #tpu.memory_space<vmem>> -> memref<4x4x1024xf32, #tpu.memory_space<vmem>>
      %dma_start3A_256 = arith.constant 0 : i32
      %dma_start3A_257 = arith.constant 0 : i32
      %dma_start3A_258 = tpu.memref_slice %arg4[%dma_start3A_256, %add3A_248, %dma_start3A_257] : memref<4x4096x1024xf32, #tpu.memory_space<hbm>> -> memref<4x4x1024xf32, #tpu.memory_space<hbm>>
      %dma_start3A_259 = tpu.memref_slice %arg10[%dma_start3A_250] : memref<2x!tpu.dma_semaphore, #tpu.memory_space<semaphore_mem>> -> memref<1x!tpu.dma_semaphore, #tpu.memory_space<semaphore_mem>>
      %dma_start3A_260 = tpu.memref_squeeze %dma_start3A_259 : memref<1x!tpu.dma_semaphore, #tpu.memory_space<semaphore_mem>> -> memref<!tpu.dma_semaphore, #tpu.memory_space<semaphore_mem>>
      %dma_start3A_261 = arith.constant 0 : i32
      %dma_start3A_262 = arith.constant 0 : i32
      %dma_start3A_263 = tpu.memref_slice %arg4[%dma_start3A_261, %add3A_248, %dma_start3A_262] : memref<4x4096x1024xf32, #tpu.memory_space<hbm>> -> memref<4x4x1024xf32, #tpu.memory_space<hbm>>
      %dma_start3A_264 = arith.constant 0 : i32
      %dma_start3A_265 = arith.constant 0 : i32
      %dma_start3A_266 = arith.constant 0 : i32
      %dma_start3A_267 = tpu.memref_slice %arg7[%dma_start3A_249, %dma_start3A_264, %dma_start3A_265, %dma_start3A_266] : memref<2x4x4x1024xf32, #tpu.memory_space<vmem>> -> memref<1x4x4x1024xf32, #tpu.memory_space<vmem>>
      %dma_start3A_268 = tpu.memref_squeeze %dma_start3A_267 : memref<1x4x4x1024xf32, #tpu.memory_space<vmem>> -> memref<4x4x1024xf32, #tpu.memory_space<vmem>>
      tpu.enqueue_dma source(%dma_start3A_268 : memref<4x4x1024xf32, #tpu.memory_space<vmem>>) target(%dma_start3A_263 : memref<4x4x1024xf32, #tpu.memory_space<hbm>>) target_semaphore(%dma_start3A_260 : memref<!tpu.dma_semaphore, #tpu.memory_space<semaphore_mem>>)
      %add3A_269 = arith.constant 3 : i32
      %add3A_270 = arith.addi %add3A_125, %add3A_269 : i32
      %lt3A_271 = arith.constant 32 : i32
      %lt3A_272 = arith.cmpi slt, %add3A_270, %lt3A_271 : i32
      %convert_element_type3A_273 = arith.extui %lt3A_272 : i1 to i32
      %cond3A_274 = arith.constant 0 : i32
      %cond3A_275 = arith.cmpi ne, %convert_element_type3A_273, %cond3A_274 : i32
      scf.if %cond3A_275 {
        %add3A_276 = arith.constant 3 : i32
        %add3A_277 = arith.addi %add3A_125, %add3A_276 : i32
        %mul3A_278 = arith.constant 4 : i32
        %mul3A_279 = arith.muli %add3A_277, %mul3A_278 : i32
        %add3A_280 = arith.addi %mul3A_2, %mul3A_279 : i32
        %dma_start3A_281 = arith.constant 1 : i32
        %dma_start3A_282 = arith.constant 1 : i32
        %dma_start3A_283 = arith.constant 0 : i32
        %dma_start3A_284 = arith.constant 0 : i32
        %dma_start3A_285 = arith.constant 0 : i32
        %dma_start3A_286 = tpu.memref_slice %arg5[%dma_start3A_281, %dma_start3A_283, %dma_start3A_284, %dma_start3A_285] : memref<2x4x4x1024xf32, #tpu.memory_space<vmem>> -> memref<1x4x4x1024xf32, #tpu.memory_space<vmem>>
        %dma_start3A_287 = tpu.memref_squeeze %dma_start3A_286 : memref<1x4x4x1024xf32, #tpu.memory_space<vmem>> -> memref<4x4x1024xf32, #tpu.memory_space<vmem>>
        %dma_start3A_288 = arith.constant 0 : i32
        %dma_start3A_289 = arith.constant 0 : i32
        %dma_start3A_290 = tpu.memref_slice %arg2[%dma_start3A_288, %add3A_280, %dma_start3A_289] : memref<4x4096x1024xf32, #tpu.memory_space<hbm>> -> memref<4x4x1024xf32, #tpu.memory_space<hbm>>
        %dma_start3A_291 = tpu.memref_slice %arg8[%dma_start3A_282] : memref<2x!tpu.dma_semaphore, #tpu.memory_space<semaphore_mem>> -> memref<1x!tpu.dma_semaphore, #tpu.memory_space<semaphore_mem>>
        %dma_start3A_292 = tpu.memref_squeeze %dma_start3A_291 : memref<1x!tpu.dma_semaphore, #tpu.memory_space<semaphore_mem>> -> memref<!tpu.dma_semaphore, #tpu.memory_space<semaphore_mem>>
        %dma_start3A_293 = arith.constant 0 : i32
        %dma_start3A_294 = arith.constant 0 : i32
        %dma_start3A_295 = arith.constant 0 : i32
        %dma_start3A_296 = tpu.memref_slice %arg5[%dma_start3A_281, %dma_start3A_293, %dma_start3A_294, %dma_start3A_295] : memref<2x4x4x1024xf32, #tpu.memory_space<vmem>> -> memref<1x4x4x1024xf32, #tpu.memory_space<vmem>>
        %dma_start3A_297 = tpu.memref_squeeze %dma_start3A_296 : memref<1x4x4x1024xf32, #tpu.memory_space<vmem>> -> memref<4x4x1024xf32, #tpu.memory_space<vmem>>
        %dma_start3A_298 = arith.constant 0 : i32
        %dma_start3A_299 = arith.constant 0 : i32
        %dma_start3A_300 = tpu.memref_slice %arg2[%dma_start3A_298, %add3A_280, %dma_start3A_299] : memref<4x4096x1024xf32, #tpu.memory_space<hbm>> -> memref<4x4x1024xf32, #tpu.memory_space<hbm>>
        tpu.enqueue_dma source(%dma_start3A_300 : memref<4x4x1024xf32, #tpu.memory_space<hbm>>) target(%dma_start3A_297 : memref<4x4x1024xf32, #tpu.memory_space<vmem>>) target_semaphore(%dma_start3A_292 : memref<!tpu.dma_semaphore, #tpu.memory_space<semaphore_mem>>)
        %dma_start3A_301 = arith.constant 1 : i32
        %dma_start3A_302 = arith.constant 1 : i32
        %dma_start3A_303 = arith.constant 0 : i32
        %dma_start3A_304 = arith.constant 0 : i32
        %dma_start3A_305 = tpu.memref_slice %arg6[%dma_start3A_301, %dma_start3A_303, %dma_start3A_304] : memref<2x4x1024xf32, #tpu.memory_space<vmem>> -> memref<1x4x1024xf32, #tpu.memory_space<vmem>>
        %dma_start3A_306 = tpu.memref_squeeze %dma_start3A_305 : memref<1x4x1024xf32, #tpu.memory_space<vmem>> -> memref<4x1024xf32, #tpu.memory_space<vmem>>
        %dma_start3A_307 = arith.constant 0 : i32
        %dma_start3A_308 = tpu.memref_slice %arg3[%add3A_280, %dma_start3A_307] : memref<4096x1024xf32, #tpu.memory_space<hbm>> -> memref<4x1024xf32, #tpu.memory_space<hbm>>
        %dma_start3A_309 = tpu.memref_slice %arg9[%dma_start3A_302] : memref<2x!tpu.dma_semaphore, #tpu.memory_space<semaphore_mem>> -> memref<1x!tpu.dma_semaphore, #tpu.memory_space<semaphore_mem>>
        %dma_start3A_310 = tpu.memref_squeeze %dma_start3A_309 : memref<1x!tpu.dma_semaphore, #tpu.memory_space<semaphore_mem>> -> memref<!tpu.dma_semaphore, #tpu.memory_space<semaphore_mem>>
        %dma_start3A_311 = arith.constant 0 : i32
        %dma_start3A_312 = arith.constant 0 : i32
        %dma_start3A_313 = tpu.memref_slice %arg6[%dma_start3A_301, %dma_start3A_311, %dma_start3A_312] : memref<2x4x1024xf32, #tpu.memory_space<vmem>> -> memref<1x4x1024xf32, #tpu.memory_space<vmem>>
        %dma_start3A_314 = tpu.memref_squeeze %dma_start3A_313 : memref<1x4x1024xf32, #tpu.memory_space<vmem>> -> memref<4x1024xf32, #tpu.memory_space<vmem>>
        %dma_start3A_315 = arith.constant 0 : i32
        %dma_start3A_316 = tpu.memref_slice %arg3[%add3A_280, %dma_start3A_315] : memref<4096x1024xf32, #tpu.memory_space<hbm>> -> memref<4x1024xf32, #tpu.memory_space<hbm>>
        tpu.enqueue_dma source(%dma_start3A_316 : memref<4x1024xf32, #tpu.memory_space<hbm>>) target(%dma_start3A_314 : memref<4x1024xf32, #tpu.memory_space<vmem>>) target_semaphore(%dma_start3A_310 : memref<!tpu.dma_semaphore, #tpu.memory_space<semaphore_mem>>)
      } else {
      }
    }
    %scan3A_81 = arith.constant 16 : i32
    %dma_wait3A = arith.constant 0 : i32
    %dma_wait3A_82 = arith.constant 0 : i32
    %dma_wait3A_83 = arith.constant 0 : i32
    %dma_wait3A_84 = arith.constant 0 : i32
    %dma_wait3A_85 = arith.constant 0 : i32
    %dma_wait3A_86 = tpu.memref_slice %arg7[%dma_wait3A, %dma_wait3A_83, %dma_wait3A_84, %dma_wait3A_85] : memref<2x4x4x1024xf32, #tpu.memory_space<vmem>> -> memref<1x4x4x1024xf32, #tpu.memory_space<vmem>>
    %dma_wait3A_87 = tpu.memref_squeeze %dma_wait3A_86 : memref<1x4x4x1024xf32, #tpu.memory_space<vmem>> -> memref<4x4x1024xf32, #tpu.memory_space<vmem>>
    %dma_wait3A_88 = arith.constant 0 : i32
    %dma_wait3A_89 = arith.constant 0 : i32
    %dma_wait3A_90 = tpu.memref_slice %arg4[%dma_wait3A_88, %mul3A_2, %dma_wait3A_89] : memref<4x4096x1024xf32, #tpu.memory_space<hbm>> -> memref<4x4x1024xf32, #tpu.memory_space<hbm>>
    %dma_wait3A_91 = tpu.memref_slice %arg10[%dma_wait3A_82] : memref<2x!tpu.dma_semaphore, #tpu.memory_space<semaphore_mem>> -> memref<1x!tpu.dma_semaphore, #tpu.memory_space<semaphore_mem>>
    %dma_wait3A_92 = tpu.memref_squeeze %dma_wait3A_91 : memref<1x!tpu.dma_semaphore, #tpu.memory_space<semaphore_mem>> -> memref<!tpu.dma_semaphore, #tpu.memory_space<semaphore_mem>>
    %dma_wait3A_93 = arith.constant 0 : i32
    %dma_wait3A_94 = arith.constant 0 : i32
    %dma_wait3A_95 = tpu.memref_slice %arg4[%dma_wait3A_93, %mul3A_2, %dma_wait3A_94] : memref<4x4096x1024xf32, #tpu.memory_space<hbm>> -> memref<4x4x1024xf32, #tpu.memory_space<hbm>>
    %dma_wait3A_96 = arith.constant 0 : i32
    %dma_wait3A_97 = arith.constant 0 : i32
    %dma_wait3A_98 = arith.constant 0 : i32
    %dma_wait3A_99 = tpu.memref_slice %arg7[%dma_wait3A, %dma_wait3A_96, %dma_wait3A_97, %dma_wait3A_98] : memref<2x4x4x1024xf32, #tpu.memory_space<vmem>> -> memref<1x4x4x1024xf32, #tpu.memory_space<vmem>>
    %dma_wait3A_100 = tpu.memref_squeeze %dma_wait3A_99 : memref<1x4x4x1024xf32, #tpu.memory_space<vmem>> -> memref<4x4x1024xf32, #tpu.memory_space<vmem>>
    tpu.wait_dma2 semaphore(%dma_wait3A_92 : memref<!tpu.dma_semaphore, #tpu.memory_space<semaphore_mem>>) src(%dma_wait3A_100 : memref<4x4x1024xf32, #tpu.memory_space<vmem>>) dst(%dma_wait3A_95 : memref<4x4x1024xf32, #tpu.memory_space<hbm>>)
    %dma_wait3A_101 = arith.constant 1 : i32
    %dma_wait3A_102 = arith.constant 1 : i32
    %dma_wait3A_103 = arith.constant 0 : i32
    %dma_wait3A_104 = arith.constant 0 : i32
    %dma_wait3A_105 = arith.constant 0 : i32
    %dma_wait3A_106 = tpu.memref_slice %arg7[%dma_wait3A_101, %dma_wait3A_103, %dma_wait3A_104, %dma_wait3A_105] : memref<2x4x4x1024xf32, #tpu.memory_space<vmem>> -> memref<1x4x4x1024xf32, #tpu.memory_space<vmem>>
    %dma_wait3A_107 = tpu.memref_squeeze %dma_wait3A_106 : memref<1x4x4x1024xf32, #tpu.memory_space<vmem>> -> memref<4x4x1024xf32, #tpu.memory_space<vmem>>
    %dma_wait3A_108 = arith.constant 0 : i32
    %dma_wait3A_109 = arith.constant 0 : i32
    %dma_wait3A_110 = tpu.memref_slice %arg4[%dma_wait3A_108, %mul3A_2, %dma_wait3A_109] : memref<4x4096x1024xf32, #tpu.memory_space<hbm>> -> memref<4x4x1024xf32, #tpu.memory_space<hbm>>
    %dma_wait3A_111 = tpu.memref_slice %arg10[%dma_wait3A_102] : memref<2x!tpu.dma_semaphore, #tpu.memory_space<semaphore_mem>> -> memref<1x!tpu.dma_semaphore, #tpu.memory_space<semaphore_mem>>
    %dma_wait3A_112 = tpu.memref_squeeze %dma_wait3A_111 : memref<1x!tpu.dma_semaphore, #tpu.memory_space<semaphore_mem>> -> memref<!tpu.dma_semaphore, #tpu.memory_space<semaphore_mem>>
    %dma_wait3A_113 = arith.constant 0 : i32
    %dma_wait3A_114 = arith.constant 0 : i32
    %dma_wait3A_115 = tpu.memref_slice %arg4[%dma_wait3A_113, %mul3A_2, %dma_wait3A_114] : memref<4x4096x1024xf32, #tpu.memory_space<hbm>> -> memref<4x4x1024xf32, #tpu.memory_space<hbm>>
    %dma_wait3A_116 = arith.constant 0 : i32
    %dma_wait3A_117 = arith.constant 0 : i32
    %dma_wait3A_118 = arith.constant 0 : i32
    %dma_wait3A_119 = tpu.memref_slice %arg7[%dma_wait3A_101, %dma_wait3A_116, %dma_wait3A_117, %dma_wait3A_118] : memref<2x4x4x1024xf32, #tpu.memory_space<vmem>> -> memref<1x4x4x1024xf32, #tpu.memory_space<vmem>>
    %dma_wait3A_120 = tpu.memref_squeeze %dma_wait3A_119 : memref<1x4x4x1024xf32, #tpu.memory_space<vmem>> -> memref<4x4x1024xf32, #tpu.memory_space<vmem>>
    tpu.wait_dma2 semaphore(%dma_wait3A_112 : memref<!tpu.dma_semaphore, #tpu.memory_space<semaphore_mem>>) src(%dma_wait3A_120 : memref<4x4x1024xf32, #tpu.memory_space<vmem>>) dst(%dma_wait3A_115 : memref<4x4x1024xf32, #tpu.memory_space<hbm>>)
    return
  }
}

</mosaic_0001>

<sc_bundles>
// kernel: kernel.3.cloned.1.call-start
scs
__scs_entry_jumppad:
0x0: {  	(pc) =	sbr.rel $0x88, $3  }
0x1: {  	(tag) =	ssettag $0x0;
	lr =	simm.s32 $0x1  }
0x2: {  	[smem:$0x3F9F] =	sst lr;
	_ =	strace $0xD0000000  }
0x3: {  	_ = 	snop  }
0x4: {  	_ = 	snop  }
0x5: {  	_ = 	snop  }
0x6: {  	_ = 	snop  }
0x7: {  	_ = 	snop  }
__scs_overlays_trampoline_lowered:
0x8: {  	[smem:$0x3FAE] =	sst s0  }
0x9: {  	[smem:$0x3FAF] =	sst s1  }
0xa: {  	[smem:$0x3FB0] =	sst s2  }
0xb: {  	[smem:$0x3FB1] =	sst s3  }
0xc: {  	[smem:$0x3FB2] =	sst s4  }
0xd: {  	[smem:$0x3FB3] =	sst s5  }
0xe: {  	[smem:$0x3FB4] =	sst s6  }
0xf: {  	[smem:$0x3FB5] =	sst s7  }
0x10: {  	[smem:$0x3FB6] =	sst s8  }
0x11: {  	[smem:$0x3FB7] =	sst s9;
	s0 =	simm.s32 @!p0 $0x0  }
0x12: {  	s1 =	sld [smem:$0x3F9D];
	s0 =	simm.s32 @p0 $0x1  }
0x13: {  	[smem:$0x3FB8] =	sst s0;
	s0 =	simm.s32 @!p1 $0x0  }
0x14: {  	s2 =	sld [smem:$0x3F9C];
	s0 =	simm.s32 @p1 $0x1  }
0x15: {  	[smem:$0x3FB9] =	sst s0;
	s0 =	simm.s32 @!p2 $0x0  }
0x16: {  	s3 =	sld [smem:$0x3FDB];
	s0 =	simm.s32 @p2 $0x1  }
0x17: {  	s4 =	simm.s32 $0x1BF5;
	[smem:$0x3FBB] =	sst s0  }
0x18: {  	s0 =	sld [smem:$0x3F9E];
	_ =	swait.ge [sflag:s4], $0x0  }
0x19: {  	s7 =	sld [smem:$0x3F9F]  }
0x1a: {  	s8 =	sadd.s32 $0xFFFFE003, lr  }
0x1b: {  	s9 =	sadd.s32 $0xFFFFFEF7, lr;
	s5 =	simm.s32 $0xFFFFFFFF;
	p2 =	slt.u32 s8, $0xFFFFF086  }
0x1c: {  	p1 =	slt.u32 s9, $0xF7A;
	s5 =	simm.s32 @!p2 $0x0  }
0x1d: {  	s5 =	simm.s32 @p1 $0x1;
	p0 =	seq.s32 s7, s2  }
0x1e: {  	s7 =	smul.u32 @!p0 $0xF7A, s2;
	p2 =	seq.s32 @!p0 s5, $0x0  }
0x1f: {  	s9 =	smul.u32 $0xF7A, s1;
	s8 =	simm.s32 @!p0 $0x1BF5;
	p2 =	por !p2, p0  }
0x20: {  	[sflag:s8] =	ssyncset.s32 @!p0 $0xFFFFF086;
	s6 =	sadd.s32 @!p0 s3, s7;
	s7 =	simm.s32 @!p0 $0x108  }
0x21: {  	s3 =	sadd.s32 s3, s9;
	s6 =	sadd.s32 @!p0 $0x88, s6;
	s7 =	simm.s32 @p2 $0x1082  }
0x22: {  	[simem:s7], [sflag:s8] =	dma.local @!p0 [hbm:s6], $0xF7A  }
0x23: {  	s9 =	sor.u32 $0xD0000000, s2;
	s6 =	simm.s32 $0x108;
	_ =	swait.ge @!p0 [sflag:s8], $0x0  }
0x24: {  	s3 =	sadd.s32 $0x88, s3;
	s6 =	simm.s32 @!p1 $0x1082;
	[sflag:s4] =	ssyncset.s32 $0xFFFFF086  }
0x25: {  	[simem:s6], [sflag:s4] =	dma.local [hbm:s3], $0xF7A  }
0x26: {  	[smem:$0x3F9F] =	sst s1;
	(tag) =	ssettag s2;
	_ =	strace s9  }
0x27: {  	s1 =	sld [smem:$0x3FAF]  }
0x28: {  	s2 =	sld [smem:$0x3FB0]  }
0x29: {  	s4 =	sld [smem:$0x3FB2]  }
0x2a: {  	p0 =	seq.s32 s5, $0x0;
	s5 =	sld [smem:$0x3FB3]  }
0x2b: {  	s6 =	sld [smem:$0x3FB4]  }
0x2c: {  	s7 =	sld [smem:$0x3FB5]  }
0x2d: {  	s3 =	simm.s32 $0x108;
	s8 =	sld [smem:$0x3FB6]  }
0x2e: {  	s3 =	simm.s32 @!p0 $0x1082;
	s9 =	sld [smem:$0x3FB7]  }
0x2f: {  	lr =	sadd.s32 s0, s3;
	s0 =	sld [smem:$0x3FAE]  }
0x30: {  	s3 =	sld [smem:$0x3FB1]  }
0x31: {  	[smem:$0x3FBA] =	sst s10  }
0x32: {  	s10 =	sld [smem:$0x3FB8];
	_ =	sdelay $0x3  }
0x33: {  	p0 =	seq.s32 s10, $0x1;
	s10 =	sld [smem:$0x3FBA];
	_ =	sdelay $0x3  }
0x34: {  	[smem:$0x3FBA] =	sst s10  }
0x35: {  	s10 =	sld [smem:$0x3FB9];
	_ =	sdelay $0x3  }
0x36: {  	p1 =	seq.s32 s10, $0x1;
	s10 =	sld [smem:$0x3FBA];
	_ =	sdelay $0x3  }
0x37: {  	[smem:$0x3FBA] =	sst s10  }
0x38: {  	s10 =	sld [smem:$0x3FBB]  }
0x39: {  	_ = 	snop;
	(pc) =	sbr.ind lr, $3  }
0x3a: {  	_ = 	snop  }
0x3b: {  	_ = 	snop  }
0x3c: {  	p2 =	seq.s32 s10, $0x1;
	s10 =	sld [smem:$0x3FBA]  }
0x3d: {  	_ =	shalt  }
0x3e: {  	_ =	shalt  }
0x3f: {  	_ =	shalt  }
0x40: {  	_ =	shalt  }
0x41: {  	_ =	shalt  }
0x42: {  	_ =	shalt  }
0x43: {  	_ =	shalt  }
0x44: {  	_ =	shalt  }
0x45: {  	_ =	shalt  }
0x46: {  	_ =	shalt  }
0x47: {  	_ =	shalt  }
0x48: {  	_ =	shalt  }
0x49: {  	_ =	shalt  }
0x4a: {  	_ =	shalt  }
0x4b: {  	_ =	shalt  }
0x4c: {  	_ =	shalt  }
0x4d: {  	_ =	shalt  }
0x4e: {  	_ =	shalt  }
0x4f: {  	_ =	shalt  }
0x50: {  	_ =	shalt  }
0x51: {  	_ =	shalt  }
0x52: {  	_ =	shalt  }
0x53: {  	_ =	shalt  }
0x54: {  	_ =	shalt  }
0x55: {  	_ =	shalt  }
0x56: {  	_ =	shalt  }
0x57: {  	_ =	shalt  }
0x58: {  	_ =	shalt  }
0x59: {  	_ =	shalt  }
0x5a: {  	_ =	shalt  }
0x5b: {  	_ =	shalt  }
0x5c: {  	_ =	shalt  }
0x5d: {  	_ =	shalt  }
0x5e: {  	_ =	shalt  }
0x5f: {  	_ =	shalt  }
0x60: {  	_ =	shalt  }
0x61: {  	_ =	shalt  }
0x62: {  	_ =	shalt  }
0x63: {  	_ =	shalt  }
0x64: {  	_ =	shalt  }
0x65: {  	_ =	shalt  }
0x66: {  	_ =	shalt  }
0x67: {  	_ =	shalt  }
0x68: {  	_ =	shalt  }
0x69: {  	_ =	shalt  }
0x6a: {  	_ =	shalt  }
0x6b: {  	_ =	shalt  }
0x6c: {  	_ =	shalt  }
0x6d: {  	_ =	shalt  }
0x6e: {  	_ =	shalt  }
0x6f: {  	_ =	shalt  }
0x70: {  	_ =	shalt  }
0x71: {  	_ =	shalt  }
0x72: {  	_ =	shalt  }
0x73: {  	_ =	shalt  }
0x74: {  	_ =	shalt  }
0x75: {  	_ =	shalt  }
0x76: {  	_ =	shalt  }
0x77: {  	_ =	shalt  }
0x78: {  	_ =	shalt  }
0x79: {  	_ =	shalt  }
0x7a: {  	_ =	shalt  }
0x7b: {  	_ =	shalt  }
0x7c: {  	_ =	shalt  }
0x7d: {  	_ =	shalt  }
0x7e: {  	_ =	shalt  }
0x7f: {  	_ =	shalt  }
0x80: {  	_ =	shalt  }
0x81: {  	_ =	shalt  }
0x82: {  	_ =	shalt  }
0x83: {  	_ =	shalt  }
0x84: {  	_ =	shalt  }
0x85: {  	_ =	shalt  }
0x86: {  	_ =	shalt  }
0x87: {  	_ =	shalt  }
.Lfunc_end0:
.L_simem_size_0:
called_computation_lowered:
.L_overlay_start_0:
0x88: {  	s2 =	sld [smem:$0x3FD9]  }
0x89: {  	s3 =	sld [smem:$0x3FFE];
	_ =	sdelay $0x1  }
0x8a: {  	s1 =	srdreg.scid  }
0x8b: {  	s0 =	sand.u32 $0x1, s1  }
0x8c: {  	s18 =	sshll.u32 s0, $0xA;
	s2 =	sadd.s32 s3, s2  }
0x8d: {  	s2 =	sadd.s32 s2, s18  }
0x8e: {  	[smem:$0x3FC6] =	sst s2  }
0x8f: {  	_ = 	snop  }
0x90: {  	s2 =	sld [smem:$0x3FC9]  }
0x91: {  	s19 =	sld [smem:$0x3FC8]  }
0x92: {  	s4 =	sld [smem:$0x3FD0];
	(tm) =	ssettm $0x1  }
0x93: {  	s5 =	sld [smem:$0x3FFB];
	_ =	sdelay $0x3  }
0x94: {  	_ =	strace s5  }
0x95: {  	s5 =	sld [smem:$0x3FFC];
	_ =	sdelay $0x3  }
0x96: {  	_ =	strace s5  }
0x97: {  	s5 =	sld [smem:$0x3FFD];
	_ =	sdelay $0x3  }
0x98: {  	_ =	strace s5  }
0x99: {  	_ =	strace $0x8FFFFFFF  }
0x9a: {  	s20 =	sld [smem:$0x3FDB];
	_ =	sdelay $0x1  }
0x9b: {  	s6 =	simm.s32 $_scs_section_size  }
0x9c: {  	s7 =	simm.s32 $_size__tile_overlayer_lowered;
	s8 =	simm.s32 $_tile_overlayer_lowered  }
0x9d: {  	s23 =	simm.s32 $0x1BFF;
	s22 =	sshll.u32 s8, $0x1;
	s5 =	sadd.s32 s6, s20  }
0x9e: {  	s9 =	simm.s32 $0x0;
	s21 =	sshll.u32 s7, $0x1;
	s7 =	sadd.s32 s22, s5  }
0x9f: {  	[timem:s9], [sflag:s23] =	dma.local [hbm:s7], s21  }
0xa0: {  	_ =	swait.ge [sflag:s23], s21  }
0xa1: {  	s6 =	ssub.s32 $0x0, s21;
	[sflag:s23] =	ssyncset.done $0x0  }
0xa2: {  	[sflag:s23] =	ssyncadd.s32 s6;
	_ =	sdelay $0x1  }
0xa3: {  	s24 =	simm.s32 $0x1B8B  }
0xa4: {  	_ =	swait.ge [sflag:s24], $0x1  }
0xa5: {  	[sflag:s24] =	ssyncset.done $0x0  }
0xa6: {  	s25 =	simm.s32 $0x1B8E;
	[sflag:s24] =	ssyncadd.s32 $0xFFFFFFFF  }
0xa7: {  	s26 =	simm.s32 $execute0_lowered;
	[smem:$0x3FD2] =	sst s25  }
0xa8: {  	s6 =	sshll.u32 s26, $0x1;
	_ =	strace $0x80000046;
	[dreg:$0x1] =	wrdreg $0xFFFFFFFF  }
0xa9: {  	s28 =	simm.s32 $_size_execute0_lowered;
	s5 =	sadd.s32 s5, s6;
	[dreg:$0x0] =	wrdreg $0x0  }
0xaa: {  	s6 =	sshll.u32 s28, $0x1;
	[dreg:$0x2] =	wrdreg s5  }
0xab: {  	[dreg:$0x3] =	wrdreg s6  }
0xac: {  	[dreg:$0x4] =	wrdreg $0xC0  }
0xad: {  	_ =	task [dreg:s9], $0x5FFFF  }
0xae: {  	[dreg:$0x1] =	wrdreg $0xFFFFFFFF  }
0xaf: {  	[dreg:$0x0] =	wrdreg $0x60  }
0xb0: {  	[dreg:$0x2] =	wrdreg s2  }
0xb1: {  	[dreg:$0x3] =	wrdreg s19  }
0xb2: {  	[dreg:$0x4] =	wrdreg s4  }
0xb3: {  	[dreg:$0x5] =	wrdreg $0x9  }
0xb4: {  	_ =	task.clear_ibuf [dreg:s9], $0x6FFFF;
	_ =	strace $0x90000046  }
0xb5: {  	s29 =	simm.s32 $0x9;
	_ =	strace $0x80000048  }
0xb6: {  	_ =	swait.ge [sflag:s29], $0x1  }
0xb7: {  	[sflag:s29] =	ssyncadd.s32 $0xFFFFFFFF  }
0xb8: {  	_ =	strace $0x90000048  }
0xb9: {  	_ =	sfence  }
0xba: {  	s30 =	sld [smem:$0x0];
	_ =	sdelay $0x2  }
0xbb: {  	s31 =	sshll.u32 s1, $0xD;
	s1 =	sshrl.u32 s1, $0x2  }
0xbc: {  	s3 =	sand.u32 $0x4000, s31;
	s1 =	sadd.s32 s1, s30  }
0xbd: {  	s0 =	sor.u32 s3, s0;
	s1 =	sshll.u32 s1, $0x11  }
0xbe: {  	s0 =	sor.u32 s1, s0  }
0xbf: {  	s0 =	sadd.s32 $0x8F2B, s0  }
0xc0: {  	[sflag:s0] =	ssyncadd.remote.s32 $0x1  }
0xc1: {  	_ =	sfence.sel $0xFFFF  }
0xc2: {  	[dreg:$0x0] =	wrdreg $0xFFFFFFFF;
	(pc) =	sbr.abs _section_cstart, $3  }
0xc3: {  	[dreg:$0x1] =	wrdreg $0xFFFFFFFF  }
0xc4: {  	_ =	task.clear_ibuf [dreg:s9], $0x2FFFF;
	_ =	strace $0x9FFFFFFF  }
0xc5: {  	(tm) =	ssettm $0x7FFFFFFF  }
tec
execute0_lowered:
.L_overlay_start_1:
0x0: {  	(tag) =	ssettag $0x1  }
0x1: {  	s1 =	rddreg [dreg:$0x0]  }
0x2: {  	s2 =	rddreg [dreg:$0x1]  }
0x3: {  	s7 =	rddreg [dreg:$0x2];
	s0 =	srdreg.scid  }
0x4: {  	s5 =	simm.s32 $0x0;
	s4 =	stileid.u32;
	s0 =	sand.u32 $0x1, s0  }
0x5: {  	s4 =	sshll.u32 s4, $0x7;
	s3 =	ssub.s32 $0x2, s0;
	s0 =	sshll.u32 s0, $0xB  }
0x6: {  	s10 =	simm.s32 $0x2;
	s15 =	simm.s32 $0x4;
	s0 =	sor.u32 s4, s0  }
0x7: {  	s19 =	simm.s32 $0x11000;
	s20 =	sshrl.u32 s3, $0x1;
	s6 =	sshll.u32 s0, $0x7  }
0x8: {  	[smem:$0x7FF] =	sst s5;
	s3 =	ssub.s32 s3, s20;
	s22 =	sadd.s32 s2, s6  }
0x9: {  	_ =	strace $0x80000047;
	s24 =	smax.u32 s3, $0x1;
	[dreg:$0x6] =	wrdreg s22  }
0xa: {  	s21 =	sadd.s32 s1, s6;
	s23 =	sor.u32 $0x40, s6;
	[dreg:$0x9] =	wrdreg s24  }
0xb: {  	s13 =	sadd.s32 $0x40, s7;
	s4 =	sadd.s32 s2, s23;
	[dreg:$0x5] =	wrdreg s21  }
0xc: {  	s5 =	simm.s32 $0x1;
	s25 =	sadd.s32 $0x80000, s21;
	[dreg:$0x8] =	wrdreg s4  }
0xd: {  	s11 =	sshrl.u32 s0, $0x3;
	s26 =	sadd.s32 $0x100000, s21;
	[dreg:$0xa] =	wrdreg s25  }
0xe: {  	s12 =	sor.u32 $0x400, s6;
	s28 =	sadd.s32 $0x180000, s21;
	[dreg:$0xb] =	wrdreg s26  }
.Ltmp0:
0xf: {  	s8 =	sadd.s32 s1, s23;
	[dreg:$0xc] =	wrdreg s28;
	(pc) =	sbr.rel .LBB2_1-.Ltmp0, $4  }
0x10: {  	s14 =	sor.u32 $0x440, s6;
	s29 =	sadd.s32 $0x80000, s8;
	[dreg:$0x7] =	wrdreg s8  }
0x11: {  	s22 =	simm.s32 $0x200;
	s30 =	sadd.s32 $0x100000, s8;
	[dreg:$0xd] =	wrdreg s29  }
0x12: {  	s23 =	simm.s32 $0x400;
	s31 =	sadd.s32 $0x180000, s8;
	[dreg:$0xe] =	wrdreg s30  }
0x13: {  	s24 =	simm.s32 $0x3;
	s4 =	simm.s32 $0x0;
	[dreg:$0xf] =	wrdreg s31  }
.LBB2_12:
0x14: {  	s0 =	simm.s32 $0x5  }
0x15: {  	_ =	swait.ge [sflag:s0], $0x4000  }
0x16: {  	[sflag:s0] =	ssyncset.done $0x0  }
0x17: {  	s3 =	simm.s32 $0x6;
	[sflag:s0] =	ssyncadd.s32 $0xFFFFC000  }
0x18: {  	_ =	swait.ge [sflag:s3], $0x4000  }
0x19: {  	s4 =	rddreg [dreg:$0x10]  }
0x1a: {  	s31 =	rddreg [dreg:$0x9];
	s4 =	sadd.s32 $0x1, s4  }
0x1b: {  	p0 =	sne.s32 s4, s31  }
.Ltmp1:
0x1c: {  	_ = 	snop;
	(pc) =	sbr.rel @!p0 .LBB2_13-.Ltmp1, $3  }
0x1d: {  	_ =	sdelay $0x1  }
0x1e: {  	[sflag:s3] =	ssyncset.done $0x0  }
0x1f: {  	[sflag:s3] =	ssyncadd.s32 $0xFFFFC000  }
.LBB2_1:
0x20: {  	[dreg:$0x10] =	wrdreg s4  }
0x21: {  	s0 =	simm.s32 $0x0;
	s3 =	rddreg [dreg:$0x5]  }
0x22: {  	[tilespmem:s0], [sflag:$0x1] =	stream.strided.gather [hbm4b:s3+s22], $0x1000, s23, s22, $0x38;
	[tilespmem:$0x12000] =	vst v63  }
0x23: {  	s30 =	rddreg [dreg:$0xa];
	s31 =	simm.s32 $0x1000  }
0x24: {  	[tilespmem:s31], [sflag:$0x1] =	stream.strided.gather [hbm4b:s30+s22], $0x1000, s23, s22, $0x38;
	[tilespmem:$0x12000] =	vst v63  }
0x25: {  	s4 =	simm.s32 $0x2000;
	s3 =	rddreg [dreg:$0xb]  }
0x26: {  	[tilespmem:s4], [sflag:$0x1] =	stream.strided.gather [hbm4b:s3+s22], $0x1000, s23, s22, $0x38;
	[tilespmem:$0x12000] =	vst v63  }
0x27: {  	s7 =	rddreg [dreg:$0xc];
	s8 =	simm.s32 $0x3000  }
0x28: {  	[tilespmem:s8], [sflag:$0x1] =	stream.strided.gather [hbm4b:s7+s22], $0x1000, s23, s22, $0x38;
	[tilespmem:$0x12000] =	vst v63  }
0x29: {  	s9 =	rddreg [dreg:$0x6];
	s16 =	simm.s32 $0x8000  }
0x2a: {  	[tilespmem:s16], [sflag:$0x3] =	stream.strided.gather [hbm4b:s9+s22], $0x1000, s23, s22, $0x38;
	[tilespmem:$0x12000] =	vst v63  }
0x2b: {  	s17 =	rddreg [dreg:$0x7];
	s18 =	simm.s32 $0x4000  }
0x2c: {  	[tilespmem:s18], [sflag:$0x2] =	stream.strided.gather [hbm4b:s17+s22], $0x1000, s23, s22, $0x38;
	[tilespmem:$0x12000] =	vst v63  }
0x2d: {  	s20 =	rddreg [dreg:$0xd];
	s21 =	simm.s32 $0x5000  }
0x2e: {  	[tilespmem:s21], [sflag:$0x2] =	stream.strided.gather [hbm4b:s20+s22], $0x1000, s23, s22, $0x38;
	[tilespmem:$0x12000] =	vst v63  }
0x2f: {  	s25 =	rddreg [dreg:$0xe];
	s26 =	simm.s32 $0x6000  }
0x30: {  	[tilespmem:s26], [sflag:$0x2] =	stream.strided.gather [hbm4b:s25+s22], $0x1000, s23, s22, $0x38;
	[tilespmem:$0x12000] =	vst v63  }
0x31: {  	s28 =	rddreg [dreg:$0xf];
	s29 =	simm.s32 $0x7000  }
0x32: {  	[tilespmem:s29], [sflag:$0x2] =	stream.strided.gather [hbm4b:s28+s22], $0x1000, s23, s22, $0x38;
	[tilespmem:$0x12000] =	vst v63  }
0x33: {  	s30 =	rddreg [dreg:$0x8];
	s31 =	simm.s32 $0x9000;
	s9 =	simm.s32 $0x0  }
0x34: {  	[tilespmem:s31], [sflag:$0x4] =	stream.strided.gather [hbm4b:s30+s22], $0x1000, s23, s22, $0x38;
	[tilespmem:$0x12000] =	vst v63  }
.LBB2_2:
0x35: {  	_ =	swait.ge [sflag:s5], $0x4000  }
0x36: {  	[sflag:s5] =	ssyncset.done $0x0  }
0x37: {  	[sflag:s5] =	ssyncadd.s32 $0xFFFFC000  }
0x38: {  	_ =	swait.ge [sflag:s24], $0x1000  }
0x39: {  	p1 =	seq.s32 s9, $0x0;
	[sflag:s24] =	ssyncset.done $0x0  }
0x3a: {  	s0 =	simm.s32 @!p1 $0x5;
	[sflag:s24] =	ssyncadd.s32 $0xFFFFF000  }
0x3b: {  	_ =	swait.ge @!p1 [sflag:s0], $0x4000  }
0x3c: {  	s20 =	sshll.u32 s9, $0xA;
	[sflag:s0] =	ssyncset.done @!p1 $0x0  }
0x3d: {  	s4 =	simm.s32 $0x0;
	s7 =	simm.s32 $0x0;
	[sflag:s0] =	ssyncadd.s32 @!p1 $0xFFFFC000  }
.LBB2_3:
0x3e: {  	s21 =	sshll.u32 s7, $0x7;
	s0 =	sand.u32 $0xE00, s4  }
0x3f: {  	s3 =	sand.u32 $0x40, s4;
	s0 =	sadd.s32 s21, s0  }
0x40: {  	s0 =	sor.u32 s3, s0  }
0x41: {  	v0 =	vld [tilespmem:s0+$0x8000]  }
0x42: {  	v1 =	vld [tilespmem:s0+$0x0];
	_ =	sdelay $0x4  }
0x43: {  	v1 =	vadd.f32 v1, v0;
	_ =	sdelay $0x1  }
0x44: {  	s3 =	sor.u32 $0x1000, s0;
	[tilespmem:s0+$0xA000] =	vst v1  }
0x45: {  	v1 =	vld [tilespmem:s3+$0x0];
	_ =	sdelay $0x4  }
0x46: {  	v1 =	vadd.f32 v1, v0;
	_ =	sdelay $0x1  }
0x47: {  	s31 =	sor.u32 $0x2000, s0;
	[tilespmem:s0+$0xB000] =	vst v1  }
0x48: {  	v1 =	vld [tilespmem:s31+$0x0];
	_ =	sdelay $0x4  }
0x49: {  	v1 =	vadd.f32 v1, v0;
	_ =	sdelay $0x1  }
0x4a: {  	s8 =	sor.u32 $0x3000, s0;
	[tilespmem:s0+$0xC000] =	vst v1  }
0x4b: {  	v1 =	vld [tilespmem:s8+$0x0];
	_ =	sdelay $0x4  }
0x4c: {  	v0 =	vadd.f32 v1, v0;
	_ =	sdelay $0x1  }
0x4d: {  	s16 =	sor.u32 $0x10, s0;
	[tilespmem:s0+$0xD000] =	vst v0;
	v0 =	vld [tilespmem:s0+$0x8010]  }
0x4e: {  	v1 =	vld [tilespmem:s16+$0x0];
	_ =	sdelay $0x4  }
0x4f: {  	v1 =	vadd.f32 v1, v0;
	_ =	sdelay $0x1  }
0x50: {  	s17 =	sor.u32 $0x1010, s0;
	[tilespmem:s0+$0xA010] =	vst v1  }
0x51: {  	v1 =	vld [tilespmem:s17+$0x0];
	_ =	sdelay $0x4  }
0x52: {  	v1 =	vadd.f32 v1, v0;
	_ =	sdelay $0x1  }
0x53: {  	s8 =	sor.u32 $0x2010, s0;
	[tilespmem:s17+$0xA000] =	vst v1  }
0x54: {  	v1 =	vld [tilespmem:s8+$0x0];
	_ =	sdelay $0x4  }
0x55: {  	v1 =	vadd.f32 v1, v0;
	_ =	sdelay $0x1  }
0x56: {  	s18 =	sor.u32 $0x3010, s0;
	[tilespmem:s8+$0xA000] =	vst v1  }
0x57: {  	v1 =	vld [tilespmem:s18+$0x0];
	_ =	sdelay $0x4  }
0x58: {  	v0 =	vadd.f32 v1, v0;
	_ =	sdelay $0x1  }
0x59: {  	[tilespmem:s18+$0xA000] =	vst v0  }
0x5a: {  	s25 =	sor.u32 $0x20, s0;
	v0 =	vld [tilespmem:s0+$0x8020]  }
0x5b: {  	v1 =	vld [tilespmem:s25+$0x0];
	_ =	sdelay $0x4  }
0x5c: {  	v1 =	vadd.f32 v1, v0;
	_ =	sdelay $0x1  }
0x5d: {  	s26 =	sor.u32 $0x1020, s0;
	[tilespmem:s0+$0xA020] =	vst v1  }
0x5e: {  	v1 =	vld [tilespmem:s26+$0x0];
	_ =	sdelay $0x4  }
0x5f: {  	v1 =	vadd.f32 v1, v0;
	_ =	sdelay $0x1  }
0x60: {  	s28 =	sor.u32 $0x2020, s0;
	[tilespmem:s26+$0xA000] =	vst v1  }
0x61: {  	v1 =	vld [tilespmem:s28+$0x0];
	_ =	sdelay $0x4  }
0x62: {  	v1 =	vadd.f32 v1, v0;
	_ =	sdelay $0x1  }
0x63: {  	s29 =	sor.u32 $0x3020, s0;
	[tilespmem:s28+$0xA000] =	vst v1  }
0x64: {  	v1 =	vld [tilespmem:s29+$0x0];
	_ =	sdelay $0x4  }
0x65: {  	v0 =	vadd.f32 v1, v0;
	_ =	sdelay $0x1  }
0x66: {  	[tilespmem:s29+$0xA000] =	vst v0  }
0x67: {  	s30 =	sor.u32 $0x30, s0;
	v0 =	vld [tilespmem:s0+$0x8030]  }
0x68: {  	v1 =	vld [tilespmem:s30+$0x0];
	_ =	sdelay $0x4  }
0x69: {  	v1 =	vadd.f32 v1, v0;
	_ =	sdelay $0x1  }
0x6a: {  	s31 =	sor.u32 $0x1030, s0;
	[tilespmem:s0+$0xA030] =	vst v1  }
0x6b: {  	v1 =	vld [tilespmem:s31+$0x0];
	_ =	sdelay $0x4  }
0x6c: {  	v1 =	vadd.f32 v1, v0;
	_ =	sdelay $0x1  }
0x6d: {  	s25 =	sor.u32 $0x2030, s0;
	[tilespmem:s31+$0xA000] =	vst v1  }
0x6e: {  	v1 =	vld [tilespmem:s25+$0x0];
	_ =	sdelay $0x4  }
0x6f: {  	v1 =	vadd.f32 v1, v0;
	_ =	sdelay $0x1  }
0x70: {  	s8 =	sor.u32 $0x3030, s0;
	[tilespmem:s25+$0xA000] =	vst v1  }
0x71: {  	s3 =	simm.s32 $0x0;
	s0 =	simm.s32 $0x40;
	v1 =	vld [tilespmem:s8+$0x0]  }
.LBB2_4:
0x72: {  	_ =	sdelay $0x1  }
0x73: {  	p0 =	sne.s32 s0, $0x3C0  }
0x74: {  	s3 =	sadd.s32 $0x100, s3;
	s25 =	smov.u32 s0;
	s0 =	sadd.s32 $0x40, s0  }
0x75: {  	s26 =	sand.u32 $0xE00, s3;
	v0 =	vadd.f32 v1, v0  }
0x76: {  	s25 =	sand.u32 $0x40, s25;
	s26 =	sadd.s32 s21, s26  }
0x77: {  	s29 =	sor.u32 s25, s26;
	[tilespmem:s8+$0xA000] =	vst v0  }
0x78: {  	v0 =	vld [tilespmem:s29+$0x8000]  }
0x79: {  	v1 =	vld [tilespmem:s29+$0x0];
	_ =	sdelay $0x4  }
0x7a: {  	v1 =	vadd.f32 v1, v0  }
0x7b: {  	s8 =	sor.u32 $0x1000, s29  }
0x7c: {  	[tilespmem:s29+$0xA000] =	vst v1  }
0x7d: {  	v1 =	vld [tilespmem:s8+$0x0];
	_ =	sdelay $0x4  }
0x7e: {  	v1 =	vadd.f32 v1, v0  }
0x7f: {  	s8 =	sor.u32 $0x2000, s29  }
0x80: {  	[tilespmem:s29+$0xB000] =	vst v1  }
0x81: {  	v1 =	vld [tilespmem:s8+$0x0];
	_ =	sdelay $0x4  }
0x82: {  	v1 =	vadd.f32 v1, v0  }
0x83: {  	s8 =	sor.u32 $0x3000, s29  }
0x84: {  	[tilespmem:s29+$0xC000] =	vst v1  }
0x85: {  	v1 =	vld [tilespmem:s8+$0x0];
	_ =	sdelay $0x4  }
0x86: {  	v0 =	vadd.f32 v1, v0  }
0x87: {  	s8 =	sor.u32 $0x10, s29  }
0x88: {  	[tilespmem:s29+$0xD000] =	vst v0;
	v0 =	vld [tilespmem:s29+$0x8010]  }
0x89: {  	v1 =	vld [tilespmem:s8+$0x0];
	_ =	sdelay $0x4  }
0x8a: {  	v1 =	vadd.f32 v1, v0  }
0x8b: {  	s8 =	sor.u32 $0x1010, s29  }
0x8c: {  	[tilespmem:s29+$0xA010] =	vst v1  }
0x8d: {  	v1 =	vld [tilespmem:s8+$0x0];
	_ =	sdelay $0x4  }
0x8e: {  	v1 =	vadd.f32 v1, v0  }
0x8f: {  	s25 =	sor.u32 $0x2010, s29  }
0x90: {  	[tilespmem:s8+$0xA000] =	vst v1  }
0x91: {  	v1 =	vld [tilespmem:s25+$0x0];
	_ =	sdelay $0x4  }
0x92: {  	v1 =	vadd.f32 v1, v0  }
0x93: {  	s8 =	sor.u32 $0x3010, s29  }
0x94: {  	[tilespmem:s25+$0xA000] =	vst v1  }
0x95: {  	v1 =	vld [tilespmem:s8+$0x0];
	_ =	sdelay $0x4  }
0x96: {  	v0 =	vadd.f32 v1, v0;
	_ =	sdelay $0x1  }
0x97: {  	[tilespmem:s8+$0xA000] =	vst v0;
	s8 =	sor.u32 $0x20, s29  }
0x98: {  	v0 =	vld [tilespmem:s29+$0x8020]  }
0x99: {  	v1 =	vld [tilespmem:s8+$0x0];
	_ =	sdelay $0x4  }
0x9a: {  	s8 =	sor.u32 $0x1020, s29;
	v1 =	vadd.f32 v1, v0;
	_ =	sdelay $0x1  }
0x9b: {  	[tilespmem:s29+$0xA020] =	vst v1  }
0x9c: {  	v1 =	vld [tilespmem:s8+$0x0];
	_ =	sdelay $0x4  }
0x9d: {  	s25 =	sor.u32 $0x2020, s29;
	v1 =	vadd.f32 v1, v0;
	_ =	sdelay $0x1  }
0x9e: {  	[tilespmem:s8+$0xA000] =	vst v1  }
0x9f: {  	v1 =	vld [tilespmem:s25+$0x0];
	_ =	sdelay $0x4  }
0xa0: {  	s8 =	sor.u32 $0x3020, s29;
	v1 =	vadd.f32 v1, v0;
	_ =	sdelay $0x1  }
0xa1: {  	[tilespmem:s25+$0xA000] =	vst v1  }
0xa2: {  	v1 =	vld [tilespmem:s8+$0x0];
	_ =	sdelay $0x4  }
0xa3: {  	v0 =	vadd.f32 v1, v0;
	_ =	sdelay $0x1  }
0xa4: {  	[tilespmem:s8+$0xA000] =	vst v0;
	s8 =	sor.u32 $0x30, s29  }
0xa5: {  	v0 =	vld [tilespmem:s29+$0x8030]  }
0xa6: {  	v1 =	vld [tilespmem:s8+$0x0];
	_ =	sdelay $0x3  }
0xa7: {  	s8 =	sor.u32 $0x1030, s29  }
0xa8: {  	v1 =	vadd.f32 v1, v0;
	_ =	sdelay $0x1  }
0xa9: {  	[tilespmem:s29+$0xA030] =	vst v1  }
0xaa: {  	v1 =	vld [tilespmem:s8+$0x0];
	_ =	sdelay $0x3  }
0xab: {  	s25 =	sor.u32 $0x2030, s29  }
0xac: {  	v1 =	vadd.f32 v1, v0;
	_ =	sdelay $0x1  }
0xad: {  	[tilespmem:s8+$0xA000] =	vst v1  }
0xae: {  	v1 =	vld [tilespmem:s25+$0x0];
	_ =	sdelay $0x3  }
.Ltmp2:
0xaf: {  	s8 =	sor.u32 $0x3030, s29;
	(pc) =	sbr.rel @p0 .LBB2_4-.Ltmp2, $3  }
0xb0: {  	v1 =	vadd.f32 v1, v0;
	_ =	sdelay $0x1  }
0xb1: {  	[tilespmem:s25+$0xA000] =	vst v1  }
0xb2: {  	v1 =	vld [tilespmem:s8+$0x0]  }
0xb3: {  	s7 =	sadd.s32 $0x1, s7  }
0xb4: {  	p0 =	sne.s32 s7, $0x4  }
.Ltmp3:
0xb5: {  	_ = 	snop;
	(pc) =	sbr.rel @p0 .LBB2_3-.Ltmp3, $3  }
0xb6: {  	_ = 	snop  }
0xb7: {  	v0 =	vadd.f32 v1, v0;
	_ =	sdelay $0x1  }
0xb8: {  	[tilespmem:s8+$0xA000] =	vst v0  }
0xb9: {  	s0 =	sadd.s32 s11, s9  }
0xba: {  	s3 =	rddreg [dreg:$0x2];
	s0 =	sshll.u32 s0, $0xA  }
0xbb: {  	s26 =	simm.s32 $0xA000;
	s0 =	sadd.s32 s3, s0  }
0xbc: {  	[hbm4b:s0+s22] =	stream.strided.scatter [tilespmem:s26], [sflag:$0x5], $0x1000, s23, s22, $0x38;
	[tilespmem:$0x12000] =	vst v63  }
0xbd: {  	s4 =	simm.s32 $0xB000;
	s28 =	sadd.s32 $0x80000, s0  }
0xbe: {  	[hbm4b:s28+s22] =	stream.strided.scatter [tilespmem:s4], [sflag:$0x5], $0x1000, s23, s22, $0x38;
	[tilespmem:$0x12000] =	vst v63  }
0xbf: {  	s30 =	simm.s32 $0xC000;
	s29 =	sadd.s32 $0x100000, s0  }
0xc0: {  	[hbm4b:s29+s22] =	stream.strided.scatter [tilespmem:s30], [sflag:$0x5], $0x1000, s23, s22, $0x38;
	[tilespmem:$0x12000] =	vst v63  }
0xc1: {  	s31 =	simm.s32 $0xD000;
	p0 =	seq.s32 s9, $0xF;
	s0 =	sadd.s32 $0x180000, s0  }
0xc2: {  	[hbm4b:s0+s22] =	stream.strided.scatter [tilespmem:s31], [sflag:$0x5], $0x1000, s23, s22, $0x38;
	[tilespmem:$0x12000] =	vst v63  }
0xc3: {  	s7 =	simm.s32 @!p0 $0x400;
	s0 =	sadd.s32 @!p0 s20, s12  }
0xc4: {  	s8 =	simm.s32 @!p0 $0x0;
	s4 =	simm.s32 @!p0 $0x200;
	s3 =	sadd.s32 @!p0 s1, s0  }
0xc5: {  	[tilespmem:s8], [sflag:$0x1] =	stream.strided.gather @!p0 [hbm4b:s3+s4], $0x1000, s7, s4, $0x38;
	[tilespmem:$0x12000] =	vst v63  }
0xc6: {  	s21 =	simm.s32 @!p0 $0x1000;
	s8 =	sadd.s32 @!p0 $0x80000, s3  }
0xc7: {  	[tilespmem:s21], [sflag:$0x1] =	stream.strided.gather @!p0 [hbm4b:s8+s4], $0x1000, s7, s4, $0x38;
	[tilespmem:$0x12000] =	vst v63  }
0xc8: {  	s8 =	sadd.s32 @!p0 $0x100000, s3;
	s21 =	simm.s32 @!p0 $0x2000  }
0xc9: {  	[tilespmem:s21], [sflag:$0x1] =	stream.strided.gather @!p0 [hbm4b:s8+s4], $0x1000, s7, s4, $0x38;
	[tilespmem:$0x12000] =	vst v63  }
0xca: {  	s3 =	sadd.s32 @!p0 $0x180000, s3;
	s8 =	simm.s32 @!p0 $0x3000  }
0xcb: {  	[tilespmem:s8], [sflag:$0x1] =	stream.strided.gather @!p0 [hbm4b:s3+s4], $0x1000, s7, s4, $0x38;
	[tilespmem:$0x12000] =	vst v63  }
0xcc: {  	s0 =	sadd.s32 @!p0 s2, s0;
	s3 =	simm.s32 @!p0 $0x8000  }
0xcd: {  	[tilespmem:s3], [sflag:$0x3] =	stream.strided.gather @!p0 [hbm4b:s0+s4], $0x1000, s7, s4, $0x38;
	[tilespmem:$0x12000] =	vst v63  }
0xce: {  	_ =	swait.ge [sflag:s10], $0x4000  }
0xcf: {  	[sflag:s10] =	ssyncset.done $0x0  }
0xd0: {  	[sflag:s10] =	ssyncadd.s32 $0xFFFFC000  }
0xd1: {  	_ =	swait.ge [sflag:s15], $0x1000  }
0xd2: {  	[sflag:s15] =	ssyncset.done $0x0  }
0xd3: {  	s0 =	simm.s32 @!p1 $0x6;
	[sflag:s15] =	ssyncadd.s32 $0xFFFFF000  }
0xd4: {  	_ =	swait.ge @!p1 [sflag:s0], $0x4000  }
0xd5: {  	[sflag:s0] =	ssyncset.done @!p1 $0x0  }
0xd6: {  	s21 =	simm.s32 $0x0;
	s7 =	simm.s32 $0x0;
	[sflag:s0] =	ssyncadd.s32 @!p1 $0xFFFFC000  }
.LBB2_7:
0xd7: {  	s4 =	sshll.u32 s7, $0x7  }
0xd8: {  	s16 =	sand.u32 $0xE00, s21;
	s0 =	sadd.s32 $0x9000, s4  }
0xd9: {  	s25 =	sand.u32 $0x40, s21;
	s8 =	sor.u32 s4, s16;
	[dreg:$0x4] =	wrdreg s0  }
0xda: {  	s26 =	sor.u32 s25, s8;
	s3 =	rddreg [dreg:$0x4]  }
0xdb: {  	s17 =	sor.u32 $0x4000, s26;
	s0 =	sadd.s32 s16, s3  }
0xdc: {  	v0 =	vld [tilespmem:s17+$0x0];
	s28 =	sadd.s32 s25, s0  }
0xdd: {  	v1 =	vld [tilespmem:s28+$0x0];
	_ =	sdelay $0x4  }
0xde: {  	v0 =	vadd.f32 v0, v1;
	_ =	sdelay $0x1  }
0xdf: {  	s18 =	sor.u32 $0x5000, s26;
	[tilespmem:s26+$0xE000] =	vst v0  }
0xe0: {  	v0 =	vld [tilespmem:s18+$0x0];
	_ =	sdelay $0x4  }
0xe1: {  	v0 =	vadd.f32 v0, v1;
	_ =	sdelay $0x1  }
0xe2: {  	s28 =	sor.u32 $0x6000, s26;
	[tilespmem:s26+$0xF000] =	vst v0  }
0xe3: {  	v0 =	vld [tilespmem:s28+$0x0];
	_ =	sdelay $0x4  }
0xe4: {  	v0 =	vadd.f32 v0, v1;
	_ =	sdelay $0x1  }
0xe5: {  	s16 =	sor.u32 $0x7000, s26;
	[tilespmem:s26+$0x10000] =	vst v0  }
0xe6: {  	v0 =	vld [tilespmem:s16+$0x0];
	_ =	sdelay $0x4  }
0xe7: {  	v0 =	vadd.f32 v0, v1  }
0xe8: {  	s17 =	sor.u32 $0x10, s25  }
0xe9: {  	s3 =	sadd.s32 s17, s0;
	s28 =	sor.u32 s17, s8;
	[tilespmem:s26+$0x11000] =	vst v0  }
0xea: {  	s18 =	sor.u32 $0x4000, s28;
	v0 =	vld [tilespmem:s3+$0x0]  }
0xeb: {  	v1 =	vld [tilespmem:s18+$0x0];
	_ =	sdelay $0x4  }
0xec: {  	v1 =	vadd.f32 v1, v0;
	_ =	sdelay $0x1  }
0xed: {  	s26 =	sor.u32 $0x5000, s28;
	[tilespmem:s28+$0xE000] =	vst v1  }
0xee: {  	v1 =	vld [tilespmem:s26+$0x0];
	_ =	sdelay $0x4  }
0xef: {  	v1 =	vadd.f32 v1, v0;
	_ =	sdelay $0x1  }
0xf0: {  	s16 =	sor.u32 $0x6000, s28;
	[tilespmem:s28+$0xF000] =	vst v1  }
0xf1: {  	v1 =	vld [tilespmem:s16+$0x0];
	_ =	sdelay $0x4  }
0xf2: {  	v1 =	vadd.f32 v1, v0;
	_ =	sdelay $0x1  }
0xf3: {  	s17 =	sor.u32 $0x7000, s28;
	[tilespmem:s28+$0x10000] =	vst v1  }
0xf4: {  	v1 =	vld [tilespmem:s17+$0x0];
	_ =	sdelay $0x4  }
0xf5: {  	v0 =	vadd.f32 v1, v0  }
0xf6: {  	s18 =	sor.u32 $0x20, s25  }
0xf7: {  	s3 =	sadd.s32 s18, s0;
	s26 =	sor.u32 s18, s8;
	[tilespmem:s28+$0x11000] =	vst v0  }
0xf8: {  	s16 =	sor.u32 $0x4000, s26;
	v0 =	vld [tilespmem:s3+$0x0]  }
0xf9: {  	v1 =	vld [tilespmem:s16+$0x0];
	_ =	sdelay $0x4  }
0xfa: {  	v1 =	vadd.f32 v1, v0;
	_ =	sdelay $0x1  }
0xfb: {  	s17 =	sor.u32 $0x5000, s26;
	[tilespmem:s26+$0xE000] =	vst v1  }
0xfc: {  	v1 =	vld [tilespmem:s17+$0x0];
	_ =	sdelay $0x4  }
0xfd: {  	v1 =	vadd.f32 v1, v0;
	_ =	sdelay $0x1  }
0xfe: {  	s18 =	sor.u32 $0x6000, s26;
	[tilespmem:s26+$0xF000] =	vst v1  }
0xff: {  	v1 =	vld [tilespmem:s18+$0x0];
	_ =	sdelay $0x4  }
0x100: {  	v1 =	vadd.f32 v1, v0;
	_ =	sdelay $0x1  }
0x101: {  	s28 =	sor.u32 $0x7000, s26;
	[tilespmem:s26+$0x10000] =	vst v1  }
0x102: {  	v1 =	vld [tilespmem:s28+$0x0];
	_ =	sdelay $0x4  }
0x103: {  	v0 =	vadd.f32 v1, v0  }
0x104: {  	s16 =	sor.u32 $0x30, s25  }
0x105: {  	s8 =	sor.u32 s16, s8;
	s0 =	sadd.s32 s16, s0;
	[tilespmem:s26+$0x11000] =	vst v0  }
0x106: {  	s17 =	sor.u32 $0x4000, s8;
	v0 =	vld [tilespmem:s0+$0x0]  }
0x107: {  	v1 =	vld [tilespmem:s17+$0x0];
	_ =	sdelay $0x4  }
0x108: {  	v1 =	vadd.f32 v1, v0;
	_ =	sdelay $0x1  }
0x109: {  	s18 =	sor.u32 $0x5000, s8;
	[tilespmem:s8+$0xE000] =	vst v1  }
0x10a: {  	v1 =	vld [tilespmem:s18+$0x0];
	_ =	sdelay $0x4  }
0x10b: {  	v1 =	vadd.f32 v1, v0;
	_ =	sdelay $0x1  }
0x10c: {  	s25 =	sor.u32 $0x6000, s8;
	[tilespmem:s8+$0xF000] =	vst v1  }
0x10d: {  	v1 =	vld [tilespmem:s25+$0x0];
	_ =	sdelay $0x4  }
0x10e: {  	v1 =	vadd.f32 v1, v0  }
0x10f: {  	s26 =	simm.s32 $0x100  }
0x110: {  	s31 =	simm.s32 $0x40;
	s28 =	sor.u32 $0x7000, s8;
	s30 =	sand.u32 $0xE00, s26;
	[tilespmem:s8+$0x10000] =	vst v1  }
0x111: {  	s3 =	simm.s32 $0x200;
	s0 =	simm.s32 $0x80;
	s29 =	sor.u32 s4, s30;
	v1 =	vld [tilespmem:s28+$0x0]  }
.LBB2_8:
0x112: {  	_ =	sdelay $0x3  }
0x113: {  	s16 =	sand.u32 $0xE00, s3;
	s26 =	sand.u32 $0x40, s31;
	v0 =	vadd.f32 v1, v0  }
0x114: {  	s28 =	rddreg [dreg:$0x4];
	s17 =	smov.u32 s0;
	s18 =	sor.u32 s26, s29  }
0x115: {  	s31 =	smov.u32 s17;
	s28 =	sadd.s32 s30, s28;
	s17 =	sor.u32 $0x4000, s18;
	[tilespmem:s8+$0x11000] =	vst v0  }
0x116: {  	s25 =	sor.u32 s4, s16;
	s30 =	smov.u32 s16;
	s16 =	sadd.s32 s26, s28;
	v0 =	vld [tilespmem:s17+$0x0]  }
0x117: {  	v1 =	vld [tilespmem:s16+$0x0];
	_ =	sdelay $0x4  }
0x118: {  	v0 =	vadd.f32 v0, v1;
	_ =	sdelay $0x1  }
0x119: {  	s16 =	sor.u32 $0x5000, s18;
	[tilespmem:s18+$0xE000] =	vst v0  }
0x11a: {  	v0 =	vld [tilespmem:s16+$0x0];
	_ =	sdelay $0x4  }
0x11b: {  	v0 =	vadd.f32 v0, v1;
	_ =	sdelay $0x1  }
0x11c: {  	s17 =	sor.u32 $0x6000, s18;
	[tilespmem:s18+$0xF000] =	vst v0  }
0x11d: {  	v0 =	vld [tilespmem:s17+$0x0];
	_ =	sdelay $0x4  }
0x11e: {  	v0 =	vadd.f32 v0, v1;
	_ =	sdelay $0x1  }
0x11f: {  	s16 =	sor.u32 $0x7000, s18;
	[tilespmem:s18+$0x10000] =	vst v0  }
0x120: {  	v0 =	vld [tilespmem:s16+$0x0];
	_ =	sdelay $0x4  }
0x121: {  	v0 =	vadd.f32 v0, v1  }
0x122: {  	s17 =	sor.u32 $0x10, s26  }
0x123: {  	s8 =	sadd.s32 s17, s28;
	s16 =	sor.u32 s17, s29;
	[tilespmem:s18+$0x11000] =	vst v0  }
0x124: {  	s18 =	sor.u32 $0x4000, s16;
	v0 =	vld [tilespmem:s8+$0x0]  }
0x125: {  	v1 =	vld [tilespmem:s18+$0x0];
	_ =	sdelay $0x4  }
0x126: {  	v1 =	vadd.f32 v1, v0;
	_ =	sdelay $0x1  }
0x127: {  	s17 =	sor.u32 $0x5000, s16;
	[tilespmem:s16+$0xE000] =	vst v1  }
0x128: {  	v1 =	vld [tilespmem:s17+$0x0];
	_ =	sdelay $0x4  }
0x129: {  	v1 =	vadd.f32 v1, v0;
	_ =	sdelay $0x1  }
0x12a: {  	s18 =	sor.u32 $0x6000, s16;
	[tilespmem:s16+$0xF000] =	vst v1  }
0x12b: {  	v1 =	vld [tilespmem:s18+$0x0];
	_ =	sdelay $0x4  }
0x12c: {  	v1 =	vadd.f32 v1, v0;
	_ =	sdelay $0x1  }
0x12d: {  	s17 =	sor.u32 $0x7000, s16;
	[tilespmem:s16+$0x10000] =	vst v1  }
0x12e: {  	v1 =	vld [tilespmem:s17+$0x0];
	_ =	sdelay $0x4  }
0x12f: {  	v0 =	vadd.f32 v1, v0  }
0x130: {  	s18 =	sor.u32 $0x20, s26  }
0x131: {  	s8 =	sadd.s32 s18, s28;
	s17 =	sor.u32 s18, s29;
	[tilespmem:s16+$0x11000] =	vst v0  }
0x132: {  	s18 =	sor.u32 $0x4000, s17;
	v0 =	vld [tilespmem:s8+$0x0]  }
0x133: {  	v1 =	vld [tilespmem:s18+$0x0];
	_ =	sdelay $0x4  }
0x134: {  	v1 =	vadd.f32 v1, v0;
	_ =	sdelay $0x1  }
0x135: {  	s18 =	sor.u32 $0x5000, s17;
	[tilespmem:s17+$0xE000] =	vst v1  }
0x136: {  	v1 =	vld [tilespmem:s18+$0x0];
	_ =	sdelay $0x4  }
0x137: {  	v1 =	vadd.f32 v1, v0;
	_ =	sdelay $0x1  }
0x138: {  	s16 =	sor.u32 $0x6000, s17;
	[tilespmem:s17+$0xF000] =	vst v1  }
0x139: {  	v1 =	vld [tilespmem:s16+$0x0];
	_ =	sdelay $0x4  }
0x13a: {  	v1 =	vadd.f32 v1, v0;
	_ =	sdelay $0x1  }
0x13b: {  	s18 =	sor.u32 $0x7000, s17;
	[tilespmem:s17+$0x10000] =	vst v1  }
0x13c: {  	v1 =	vld [tilespmem:s18+$0x0];
	_ =	sdelay $0x4  }
0x13d: {  	v0 =	vadd.f32 v1, v0  }
0x13e: {  	s26 =	sor.u32 $0x30, s26  }
0x13f: {  	s8 =	sor.u32 s26, s29;
	s16 =	sadd.s32 s26, s28;
	[tilespmem:s17+$0x11000] =	vst v0  }
0x140: {  	s18 =	sor.u32 $0x4000, s8;
	v0 =	vld [tilespmem:s16+$0x0]  }
0x141: {  	v1 =	vld [tilespmem:s18+$0x0];
	_ =	sdelay $0x4  }
0x142: {  	v1 =	vadd.f32 v1, v0;
	_ =	sdelay $0x1  }
0x143: {  	s29 =	smov.u32 s25;
	s25 =	sor.u32 $0x5000, s8;
	[tilespmem:s8+$0xE000] =	vst v1  }
0x144: {  	v1 =	vld [tilespmem:s25+$0x0];
	_ =	sdelay $0x4  }
0x145: {  	v1 =	vadd.f32 v1, v0;
	_ =	sdelay $0x1  }
0x146: {  	s26 =	sor.u32 $0x6000, s8;
	[tilespmem:s8+$0xF000] =	vst v1  }
0x147: {  	v1 =	vld [tilespmem:s26+$0x0];
	_ =	sdelay $0x2  }
0x148: {  	p1 =	sne.s32 s0, $0x3C0  }
.Ltmp4:
0x149: {  	_ = 	snop;
	(pc) =	sbr.rel @p1 .LBB2_8-.Ltmp4, $3  }
0x14a: {  	v1 =	vadd.f32 v1, v0;
	_ =	sdelay $0x1  }
0x14b: {  	s28 =	sor.u32 $0x7000, s8;
	[tilespmem:s8+$0x10000] =	vst v1  }
0x14c: {  	s0 =	sadd.s32 $0x40, s0;
	s3 =	sadd.s32 $0x100, s3;
	v1 =	vld [tilespmem:s28+$0x0]  }
0x14d: {  	_ =	sdelay $0x3  }
0x14e: {  	s3 =	sand.u32 $0x40, s31;
	v0 =	vadd.f32 v1, v0  }
0x14f: {  	s0 =	rddreg [dreg:$0x4];
	s4 =	sor.u32 s3, s29  }
0x150: {  	s0 =	sadd.s32 s30, s0;
	s16 =	sor.u32 $0x4000, s4;
	[tilespmem:s8+$0x11000] =	vst v0  }
0x151: {  	s18 =	sadd.s32 s3, s0;
	v0 =	vld [tilespmem:s16+$0x0]  }
0x152: {  	v60 =	vld [tilespmem:s18+$0x0];
	_ =	sdelay $0x4  }
0x153: {  	v0 =	vadd.f32 v0, v60;
	_ =	sdelay $0x1  }
0x154: {  	s25 =	sor.u32 $0x5000, s4;
	[tilespmem:s4+$0xE000] =	vst v0  }
0x155: {  	v0 =	vld [tilespmem:s25+$0x0];
	_ =	sdelay $0x4  }
0x156: {  	v0 =	vadd.f32 v0, v60;
	_ =	sdelay $0x1  }
0x157: {  	s26 =	sor.u32 $0x6000, s4;
	[tilespmem:s4+$0xF000] =	vst v0  }
0x158: {  	v0 =	vld [tilespmem:s26+$0x0];
	_ =	sdelay $0x4  }
0x159: {  	v0 =	vadd.f32 v0, v60;
	_ =	sdelay $0x1  }
0x15a: {  	s28 =	sor.u32 $0x7000, s4;
	[tilespmem:s4+$0x10000] =	vst v0  }
0x15b: {  	v0 =	vld [tilespmem:s28+$0x0];
	_ =	sdelay $0x4  }
0x15c: {  	v0 =	vadd.f32 v0, v60  }
0x15d: {  	s30 =	sor.u32 $0x10, s3  }
0x15e: {  	s31 =	sor.u32 s30, s29;
	s8 =	sadd.s32 s30, s0;
	[tilespmem:s4+$0x11000] =	vst v0  }
0x15f: {  	s17 =	sor.u32 $0x4000, s31;
	v0 =	vld [tilespmem:s8+$0x0]  }
0x160: {  	v61 =	vld [tilespmem:s17+$0x0];
	_ =	sdelay $0x4  }
0x161: {  	v1 =	vadd.f32 v61, v0;
	_ =	sdelay $0x1  }
0x162: {  	s18 =	sor.u32 $0x5000, s31;
	[tilespmem:s31+$0xE000] =	vst v1  }
0x163: {  	v1 =	vld [tilespmem:s18+$0x0];
	_ =	sdelay $0x4  }
0x164: {  	v1 =	vadd.f32 v1, v0;
	_ =	sdelay $0x1  }
0x165: {  	s25 =	sor.u32 $0x6000, s31;
	[tilespmem:s31+$0xF000] =	vst v1  }
0x166: {  	v1 =	vld [tilespmem:s25+$0x0];
	_ =	sdelay $0x4  }
0x167: {  	v1 =	vadd.f32 v1, v0;
	_ =	sdelay $0x1  }
0x168: {  	s26 =	sor.u32 $0x7000, s31;
	[tilespmem:s31+$0x10000] =	vst v1  }
0x169: {  	v1 =	vld [tilespmem:s26+$0x0];
	_ =	sdelay $0x4  }
0x16a: {  	v0 =	vadd.f32 v1, v0  }
0x16b: {  	s28 =	sor.u32 $0x20, s3  }
0x16c: {  	s30 =	sor.u32 s28, s29;
	s4 =	sadd.s32 s28, s0;
	[tilespmem:s31+$0x11000] =	vst v0  }
0x16d: {  	s31 =	sor.u32 $0x4000, s30;
	v0 =	vld [tilespmem:s4+$0x0]  }
0x16e: {  	v62 =	vld [tilespmem:s31+$0x0];
	_ =	sdelay $0x4  }
0x16f: {  	v1 =	vadd.f32 v62, v0;
	_ =	sdelay $0x1  }
0x170: {  	s17 =	sor.u32 $0x5000, s30;
	[tilespmem:s30+$0xE000] =	vst v1  }
0x171: {  	v1 =	vld [tilespmem:s17+$0x0];
	_ =	sdelay $0x4  }
0x172: {  	v1 =	vadd.f32 v1, v0;
	_ =	sdelay $0x1  }
0x173: {  	s18 =	sor.u32 $0x6000, s30;
	[tilespmem:s30+$0xF000] =	vst v1  }
0x174: {  	v1 =	vld [tilespmem:s18+$0x0];
	_ =	sdelay $0x4  }
0x175: {  	v1 =	vadd.f32 v1, v0;
	_ =	sdelay $0x1  }
0x176: {  	s25 =	sor.u32 $0x7000, s30;
	[tilespmem:s30+$0x10000] =	vst v1  }
0x177: {  	v1 =	vld [tilespmem:s25+$0x0];
	_ =	sdelay $0x4  }
0x178: {  	v0 =	vadd.f32 v1, v0  }
0x179: {  	s3 =	sor.u32 $0x30, s3  }
0x17a: {  	s0 =	sadd.s32 s3, s0;
	s26 =	sor.u32 s3, s29;
	[tilespmem:s30+$0x11000] =	vst v0  }
0x17b: {  	s28 =	sor.u32 $0x4000, s26;
	v0 =	vld [tilespmem:s0+$0x0]  }
0x17c: {  	v63 =	vld [tilespmem:s28+$0x0];
	_ =	sdelay $0x4  }
0x17d: {  	v1 =	vadd.f32 v63, v0;
	_ =	sdelay $0x1  }
0x17e: {  	s29 =	sor.u32 $0x5000, s26;
	[tilespmem:s26+$0xE000] =	vst v1  }
0x17f: {  	v1 =	vld [tilespmem:s29+$0x0];
	_ =	sdelay $0x4  }
0x180: {  	v1 =	vadd.f32 v1, v0;
	_ =	sdelay $0x1  }
0x181: {  	s30 =	sor.u32 $0x6000, s26;
	[tilespmem:s26+$0xF000] =	vst v1  }
0x182: {  	v1 =	vld [tilespmem:s30+$0x0];
	_ =	sdelay $0x4  }
0x183: {  	v1 =	vadd.f32 v1, v0;
	_ =	sdelay $0x1  }
0x184: {  	s31 =	sor.u32 $0x7000, s26;
	[tilespmem:s26+$0x10000] =	vst v1  }
0x185: {  	v1 =	vld [tilespmem:s31+$0x0]  }
0x186: {  	s7 =	sadd.s32 $0x1, s7  }
0x187: {  	p1 =	sne.s32 s7, $0x4  }
.Ltmp5:
0x188: {  	_ = 	snop;
	(pc) =	sbr.rel @p1 .LBB2_7-.Ltmp5, $3  }
0x189: {  	_ = 	snop  }
0x18a: {  	v0 =	vadd.f32 v1, v0;
	_ =	sdelay $0x1  }
0x18b: {  	[tilespmem:s26+$0x11000] =	vst v0  }
0x18c: {  	s0 =	sor.u32 s20, s6  }
0x18d: {  	s3 =	simm.s32 $0xE000;
	s0 =	sadd.s32 s0, s13  }
0x18e: {  	[hbm4b:s0+s22] =	stream.strided.scatter [tilespmem:s3], [sflag:$0x6], $0x1000, s23, s22, $0x38;
	[tilespmem:$0x12000] =	vst v63  }
0x18f: {  	s4 =	simm.s32 $0xF000;
	s29 =	sadd.s32 $0x80000, s0  }
0x190: {  	[hbm4b:s29+s22] =	stream.strided.scatter [tilespmem:s4], [sflag:$0x6], $0x1000, s23, s22, $0x38;
	[tilespmem:$0x12000] =	vst v63  }
.Ltmp6:
0x191: {  	_ = 	snop;
	(pc) =	sbr.rel @p0 .LBB2_12-.Ltmp6, $4  }
0x192: {  	s31 =	simm.s32 $0x10000;
	s30 =	sadd.s32 $0x100000, s0  }
0x193: {  	[hbm4b:s30+s22] =	stream.strided.scatter [tilespmem:s31], [sflag:$0x6], $0x1000, s23, s22, $0x38;
	[tilespmem:$0x12000] =	vst v63  }
0x194: {  	s0 =	sadd.s32 $0x180000, s0  }
0x195: {  	[hbm4b:s0+s22] =	stream.strided.scatter [tilespmem:s19], [sflag:$0x6], $0x1000, s23, s22, $0x38;
	[tilespmem:$0x12000] =	vst v63  }
0x196: {  	s0 =	sadd.s32 s20, s14  }
0x197: {  	s4 =	simm.s32 $0x4000;
	s3 =	sadd.s32 s1, s0  }
0x198: {  	[tilespmem:s4], [sflag:$0x2] =	stream.strided.gather [hbm4b:s3+s22], $0x1000, s23, s22, $0x38;
	[tilespmem:$0x12000] =	vst v63  }
0x199: {  	s7 =	simm.s32 $0x5000;
	s26 =	sadd.s32 $0x80000, s3  }
0x19a: {  	[tilespmem:s7], [sflag:$0x2] =	stream.strided.gather [hbm4b:s26+s22], $0x1000, s23, s22, $0x38;
	[tilespmem:$0x12000] =	vst v63  }
0x19b: {  	s29 =	simm.s32 $0x6000;
	s28 =	sadd.s32 $0x100000, s3  }
0x19c: {  	[tilespmem:s29], [sflag:$0x2] =	stream.strided.gather [hbm4b:s28+s22], $0x1000, s23, s22, $0x38;
	[tilespmem:$0x12000] =	vst v63  }
.Ltmp7:
0x19d: {  	_ = 	snop;
	(pc) =	sbr.rel .LBB2_2-.Ltmp7, $4  }
0x19e: {  	s30 =	simm.s32 $0x7000;
	s3 =	sadd.s32 $0x180000, s3  }
0x19f: {  	[tilespmem:s30], [sflag:$0x2] =	stream.strided.gather [hbm4b:s3+s22], $0x1000, s23, s22, $0x38;
	[tilespmem:$0x12000] =	vst v63  }
0x1a0: {  	s31 =	simm.s32 $0x9000;
	s9 =	sadd.s32 $0x1, s9;
	s0 =	sadd.s32 s2, s0  }
0x1a1: {  	[tilespmem:s31], [sflag:$0x4] =	stream.strided.gather [hbm4b:s0+s22], $0x1000, s23, s22, $0x38;
	[tilespmem:$0x12000] =	vst v63  }
.LBB2_13:
0x1a2: {  	_ =	sfence.sel $0x180000  }
0x1a3: {  	[bflag:$0x0] =	sbarrier.arrive $0xFFFF  }
0x1a4: {  	_ =	strace $0x90000047  }
0x1a5: {  	s0 =	stileid.u32;
	[bflag:$0x2] =	sbarrier.arrive $0xFFFF  }
0x1a6: {  	p0 =	sne.s32 s0, $0x0;
	s0 =	rddreg [dreg:$0x3]  }
0x1a7: {  	s0 =	sadd.s32 @!p0 $0x100000, s0  }
0x1a8: {  	[sflag:s0] =	ssyncadd.tile.s32 @!p0 $0x1;
	_ =	shalt  }
.Lfunc_end2:
_tile_overlayer_lowered:
.L_overlay_start_2:
0x1a9: {  	(tag) =	ssettag $0x2  }
0x1aa: {  	s0 =	rddreg [dreg:$0x0];
	s2 =	stileid.u32  }
0x1ab: {  	s1 =	rddreg [dreg:$0x1];
	p0 =	sne.s32 s2, $0x0  }
0x1ac: {  	s3 =	rddreg [dreg:$0x2];
	[bflag:$0x3] =	sbarrier.arrive $0xFFFF;
	s2 =	simm.s32 @!p0 $0x1C07  }
0x1ad: {  	[timem:s3], [sflag:s2] =	dma.local @!p0 [hbm:s0], s1  }
0x1ae: {  	s0 =	simm.s32 @!p0 $0x7  }
0x1af: {  	_ =	swait.ge @!p0 [sflag:s0], s1  }
0x1b0: {  	s1 =	ssub.s32 @!p0 $0x0, s1;
	[sflag:s0] =	ssyncset.done @!p0 $0x0  }
0x1b1: {  	[sflag:s0] =	ssyncadd.s32 @!p0 s1  }
0x1b2: {  	[bflag:$0x3] =	sbarrier.arrive $0xFFFF  }
0x1b3: {  	_ =	shalt  }

</sc_bundles>
